<compile_context>
chip_gen: v7x
topology: tpu7x:2x2x1
jax: 0.10.2.dev20260603
libtpu: 0.0.44.dev20260713+nightly
codegen_flags: <defaults>
</compile_context>

<pallas_src>
import functools

import jax
import jax.numpy as jnp
from jax import lax
from jax.experimental import pallas as pl
from jax.experimental.pallas import tpu as pltpu
from jax.experimental.pallas import tpu_sc as plsc

DIM = 64
CHUNK = 128
LANES = 16
NC, NS = 2, 16
NW = NC * NS
GROUPS = CHUNK // LANES


def _rsqrt(s):
    i = plsc.bitcast(s, jnp.int32)
    i = jnp.int32(0x5F3759DF) - lax.shift_right_logical(i, 1)
    y = plsc.bitcast(i, jnp.float32)
    for _ in range(3):
        y = y * (1.5 - 0.5 * s * y * y)
    return y


def _shuffle(x, idx):
    dn = lax.GatherDimensionNumbers(
        offset_dims=(), collapsed_slice_dims=(0,), start_index_map=(0,)
    )
    return lax.gather(
        x, idx[:, None], dn, (1,),
        mode=lax.GatherScatterMode.PROMISE_IN_BOUNDS,
    )


def _hsum(acc):
    lanes = lax.iota(jnp.int32, LANES)
    for sh in (8, 4, 2, 1):
        perm = jnp.bitwise_xor(lanes, sh)
        acc = acc + _shuffle(acc, perm)
    return acc


def _normalize_row(in_v, out_v, r, carry):
    vs = [in_v[r, pl.ds(k * LANES, LANES)] for k in range(DIM // LANES)]
    acc = vs[0] * vs[0]
    for v in vs[1:]:
        acc = acc + v * v
    y = _rsqrt(_hsum(acc))
    for k, v in enumerate(vs):
        out_v[r, pl.ds(k * LANES, LANES)] = v * y
    return carry


NBUF = 4


def _make_lookup(n_rows):
    steps = n_rows // (NW * CHUNK)
    mesh = plsc.VectorSubcoreMesh(core_axis_name="c", subcore_axis_name="s")

    @functools.partial(
        pl.kernel,
        mesh=mesh,
        compiler_params=pltpu.CompilerParams(
            needs_layout_passes=False, use_tc_tiling_on_sc=False
        ),
        out_type=jax.ShapeDtypeStruct((n_rows, DIM), jnp.float32),
        scratch_types=[
            pltpu.VMEM((steps, CHUNK), jnp.int32),
            pltpu.VMEM((NBUF, CHUNK, DIM), jnp.float32),
            pltpu.VMEM((NBUF, CHUNK, DIM), jnp.float32),
            pltpu.SemaphoreType.DMA((NBUF,)),
            pltpu.SemaphoreType.DMA((NBUF,)),
        ],
    )
    def lookup(x_hbm, tbl_hbm, out_hbm, idx_v, in_v, out_v, sem_g, sem_s):
        w = lax.axis_index("s") * NC + lax.axis_index("c")
        pltpu.sync_copy(x_hbm.at[pl.ds(w * steps, steps)], idx_v)

        def gather(s, b):
            return pltpu.make_async_copy(
                tbl_hbm.at[idx_v.at[s]], in_v.at[b], sem_g.at[b]
            )

        def scatter(s, b):
            base = (w * steps + s) * CHUNK
            return pltpu.make_async_copy(
                out_v.at[b], out_hbm.at[pl.ds(base, CHUNK)], sem_s.at[b]
            )

        for b in range(NBUF):
            gather(b, b).start()

        def round_(t, carry):
            for b in range(NBUF):
                s = t * NBUF + b

                @pl.when(s >= NBUF)
                def _():
                    scatter(s - NBUF, b).wait()

                gather(s, b).wait()
                lax.fori_loop(
                    0,
                    CHUNK,
                    functools.partial(_normalize_row, in_v.at[b], out_v.at[b]),
                    0,
                )
                scatter(s, b).start()

                @pl.when(s + NBUF < steps)
                def _():
                    gather(s + NBUF, b).start()

            return carry

        lax.fori_loop(0, steps // NBUF, round_, 0)
        for b in range(NBUF):
            scatter(steps - NBUF + b, b).wait()

    return lookup


def kernel(x, W_inner):
    b, l = x.shape
    n = b * l
    xi = x.astype(jnp.int32).reshape(n // CHUNK, CHUNK)
    out = _make_lookup(n)(xi, W_inner)
    return out.reshape(b, l, DIM)

# --- scband reference (transcript-rebuilt; emitter-appended) ---
"""Pipeline reference for scband-model-78469052498683 (READ-ONLY COPY).

The authoritative reference and input builder live on the scoring server;
editing this copy changes nothing except your own understanding.
"""

import jax, jax.numpy as jnp
import numpy as np

VOCAB = 1000000
DIM = 64
B = 16384
L = 50

def _normalize(e, eps=1e-12):
    n = jnp.linalg.norm(e, axis=-1, keepdims=True)
    return e / jnp.maximum(n, eps)

def setup_inputs(seed: int = 0) -> dict:
    key = jax.random.key(seed)
    k_idx, k_w = jax.random.split(key)
    x = jax.random.randint(k_idx, (B, L), 0, VOCAB, dtype=jnp.int64)
    # inner embedding table: pad row is zeroed then re-initialized by normal_ in the
    # original torch code, so the whole table is N(0, 0.02) in effect.
    W_inner = jax.random.normal(k_w, (VOCAB, DIM), dtype=jnp.float32) * 0.02
    return {"x": x, "W_inner": W_inner}

def reference(x, W_inner):
    # Model.lookup -> inner_embed: F.normalize(inner_embedding(x), dim=-1)
    e = jnp.take(W_inner, x, axis=0)
    return _normalize(e)

if __name__ == "__main__":
    import jax
    _d = setup_inputs()
    print(jax.jit(kernel)(*tuple(_d.values())))

</pallas_src>

<mosaic_0001>
#map = affine_map<(d0, d1) -> (0, 0)>
module attributes {stable_mosaic.version = 14 : i64} {
  func.func @lookup(%arg0: i32, %arg1: i32, %arg2: memref<6400x128xi32, #tpu.memory_space<hbm>>, %arg3: memref<1000000x64xf32, #tpu.memory_space<hbm>>, %arg4: memref<819200x64xf32, #tpu.memory_space<hbm>>, %arg5: memref<200x128xi32, #tpu.memory_space<vmem>>, %arg6: memref<4x128x64xf32, #tpu.memory_space<vmem>>, %arg7: memref<4x128x64xf32, #tpu.memory_space<vmem>>, %arg8: memref<4x!tpu.dma_semaphore, #tpu.memory_space<semaphore_mem>>, %arg9: memref<4x!tpu.dma_semaphore, #tpu.memory_space<semaphore_mem>>) attributes {dimension_semantics = [#tpu.dimension_semantics<core_parallel>, #tpu.dimension_semantics<subcore_parallel>], iteration_bounds = array<i64: 2, 16>, scalar_prefetch = 0 : i64, scratch_operands = 5 : i64, tpu.core_type = #tpu.core_type<sc_vector_subcore>, window_params = [{transform_indices = #map}, {transform_indices = #map}, {transform_indices = #map}]} {
    %mul3A = arith.constant 2 : i32
    %mul3A_0 = arith.muli %arg1, %mul3A : i32
    %add3A = arith.addi %mul3A_0, %arg0 : i32
    %mul3A_1 = arith.constant 200 : i32
    %mul3A_2 = arith.muli %add3A, %mul3A_1 : i32
    "tpu.region"() ({
      %run_scoped3A = tpu.sem_alloc : memref<!tpu.dma_semaphore, #tpu.memory_space<semaphore_mem>>
      %dma_start3A_154 = arith.constant 0 : i32
      %dma_start3A_155 = tpu.memref_slice %arg2[%mul3A_2, %dma_start3A_154] : memref<6400x128xi32, #tpu.memory_space<hbm>> -> memref<200x128xi32, #tpu.memory_space<hbm>>
      %dma_start3A_156 = arith.constant 0 : i32
      %dma_start3A_157 = tpu.memref_slice %arg2[%mul3A_2, %dma_start3A_156] : memref<6400x128xi32, #tpu.memory_space<hbm>> -> memref<200x128xi32, #tpu.memory_space<hbm>>
      tpu.enqueue_dma source(%dma_start3A_157 : memref<200x128xi32, #tpu.memory_space<hbm>>) target(%arg5 : memref<200x128xi32, #tpu.memory_space<vmem>>) target_semaphore(%run_scoped3A : memref<!tpu.dma_semaphore, #tpu.memory_space<semaphore_mem>>)
      %dma_wait3A_158 = arith.constant 0 : i32
      %dma_wait3A_159 = tpu.memref_slice %arg2[%mul3A_2, %dma_wait3A_158] : memref<6400x128xi32, #tpu.memory_space<hbm>> -> memref<200x128xi32, #tpu.memory_space<hbm>>
      %dma_wait3A_160 = arith.constant 0 : i32
      %dma_wait3A_161 = tpu.memref_slice %arg2[%mul3A_2, %dma_wait3A_160] : memref<6400x128xi32, #tpu.memory_space<hbm>> -> memref<200x128xi32, #tpu.memory_space<hbm>>
      tpu.wait_dma2 semaphore(%run_scoped3A : memref<!tpu.dma_semaphore, #tpu.memory_space<semaphore_mem>>) src(%dma_wait3A_161 : memref<200x128xi32, #tpu.memory_space<hbm>>) dst(%arg5 : memref<200x128xi32, #tpu.memory_space<vmem>>)
      tpu.yield
    }) : () -> ()
    %dma_start3A = arith.constant 0 : i32
    %dma_start3A_3 = arith.constant 0 : i32
    %dma_start3A_4 = arith.constant 0 : i32
    %dma_start3A_5 = arith.constant 0 : i32
    %dma_start3A_6 = arith.constant 0 : i32
    %dma_start3A_7 = tpu.memref_slice %arg6[%dma_start3A_3, %dma_start3A_5, %dma_start3A_6] : memref<4x128x64xf32, #tpu.memory_space<vmem>> -> memref<1x128x64xf32, #tpu.memory_space<vmem>>
    %dma_start3A_8 = tpu.memref_squeeze %dma_start3A_7 : memref<1x128x64xf32, #tpu.memory_space<vmem>> -> memref<128x64xf32, #tpu.memory_space<vmem>>
    %dma_start3A_9 = arith.constant 0 : i32
    %dma_start3A_10 = tpu.memref_slice %arg5[%dma_start3A, %dma_start3A_9] : memref<200x128xi32, #tpu.memory_space<vmem>> -> memref<1x128xi32, #tpu.memory_space<vmem>>
    %dma_start3A_11 = tpu.memref_squeeze %dma_start3A_10 : memref<1x128xi32, #tpu.memory_space<vmem>> -> memref<128xi32, #tpu.memory_space<vmem>>
    %dma_start3A_12 = arith.constant 0 : i32
    %dma_start3A_13 = arith.constant 0 : i32
    %dma_start3A_14 = tpu.memref_slice %arg3[%dma_start3A_12, %dma_start3A_13] : memref<1000000x64xf32, #tpu.memory_space<hbm>> -> memref<1000000x64xf32, #tpu.memory_space<hbm>>
    %dma_start3A_15 = tpu.memref_slice %arg8[%dma_start3A_4] : memref<4x!tpu.dma_semaphore, #tpu.memory_space<semaphore_mem>> -> memref<1x!tpu.dma_semaphore, #tpu.memory_space<semaphore_mem>>
    %dma_start3A_16 = tpu.memref_squeeze %dma_start3A_15 : memref<1x!tpu.dma_semaphore, #tpu.memory_space<semaphore_mem>> -> memref<!tpu.dma_semaphore, #tpu.memory_space<semaphore_mem>>
    tpu.enqueue_indirect_dma source(%dma_start3A_14 : memref<1000000x64xf32, #tpu.memory_space<hbm>>) target(%dma_start3A_8 : memref<128x64xf32, #tpu.memory_space<vmem>>) offsets(%dma_start3A_11 : memref<128xi32, #tpu.memory_space<vmem>>) semaphore(%dma_start3A_16 : memref<!tpu.dma_semaphore, #tpu.memory_space<semaphore_mem>>)
    %dma_start3A_17 = arith.constant 1 : i32
    %dma_start3A_18 = arith.constant 1 : i32
    %dma_start3A_19 = arith.constant 1 : i32
    %dma_start3A_20 = arith.constant 0 : i32
    %dma_start3A_21 = arith.constant 0 : i32
    %dma_start3A_22 = tpu.memref_slice %arg6[%dma_start3A_18, %dma_start3A_20, %dma_start3A_21] : memref<4x128x64xf32, #tpu.memory_space<vmem>> -> memref<1x128x64xf32, #tpu.memory_space<vmem>>
    %dma_start3A_23 = tpu.memref_squeeze %dma_start3A_22 : memref<1x128x64xf32, #tpu.memory_space<vmem>> -> memref<128x64xf32, #tpu.memory_space<vmem>>
    %dma_start3A_24 = arith.constant 0 : i32
    %dma_start3A_25 = tpu.memref_slice %arg5[%dma_start3A_17, %dma_start3A_24] : memref<200x128xi32, #tpu.memory_space<vmem>> -> memref<1x128xi32, #tpu.memory_space<vmem>>
    %dma_start3A_26 = tpu.memref_squeeze %dma_start3A_25 : memref<1x128xi32, #tpu.memory_space<vmem>> -> memref<128xi32, #tpu.memory_space<vmem>>
    %dma_start3A_27 = arith.constant 0 : i32
    %dma_start3A_28 = arith.constant 0 : i32
    %dma_start3A_29 = tpu.memref_slice %arg3[%dma_start3A_27, %dma_start3A_28] : memref<1000000x64xf32, #tpu.memory_space<hbm>> -> memref<1000000x64xf32, #tpu.memory_space<hbm>>
    %dma_start3A_30 = tpu.memref_slice %arg8[%dma_start3A_19] : memref<4x!tpu.dma_semaphore, #tpu.memory_space<semaphore_mem>> -> memref<1x!tpu.dma_semaphore, #tpu.memory_space<semaphore_mem>>
    %dma_start3A_31 = tpu.memref_squeeze %dma_start3A_30 : memref<1x!tpu.dma_semaphore, #tpu.memory_space<semaphore_mem>> -> memref<!tpu.dma_semaphore, #tpu.memory_space<semaphore_mem>>
    tpu.enqueue_indirect_dma source(%dma_start3A_29 : memref<1000000x64xf32, #tpu.memory_space<hbm>>) target(%dma_start3A_23 : memref<128x64xf32, #tpu.memory_space<vmem>>) offsets(%dma_start3A_26 : memref<128xi32, #tpu.memory_space<vmem>>) semaphore(%dma_start3A_31 : memref<!tpu.dma_semaphore, #tpu.memory_space<semaphore_mem>>)
    %dma_start3A_32 = arith.constant 2 : i32
    %dma_start3A_33 = arith.constant 2 : i32
    %dma_start3A_34 = arith.constant 2 : i32
    %dma_start3A_35 = arith.constant 0 : i32
    %dma_start3A_36 = arith.constant 0 : i32
    %dma_start3A_37 = tpu.memref_slice %arg6[%dma_start3A_33, %dma_start3A_35, %dma_start3A_36] : memref<4x128x64xf32, #tpu.memory_space<vmem>> -> memref<1x128x64xf32, #tpu.memory_space<vmem>>
    %dma_start3A_38 = tpu.memref_squeeze %dma_start3A_37 : memref<1x128x64xf32, #tpu.memory_space<vmem>> -> memref<128x64xf32, #tpu.memory_space<vmem>>
    %dma_start3A_39 = arith.constant 0 : i32
    %dma_start3A_40 = tpu.memref_slice %arg5[%dma_start3A_32, %dma_start3A_39] : memref<200x128xi32, #tpu.memory_space<vmem>> -> memref<1x128xi32, #tpu.memory_space<vmem>>
    %dma_start3A_41 = tpu.memref_squeeze %dma_start3A_40 : memref<1x128xi32, #tpu.memory_space<vmem>> -> memref<128xi32, #tpu.memory_space<vmem>>
    %dma_start3A_42 = arith.constant 0 : i32
    %dma_start3A_43 = arith.constant 0 : i32
    %dma_start3A_44 = tpu.memref_slice %arg3[%dma_start3A_42, %dma_start3A_43] : memref<1000000x64xf32, #tpu.memory_space<hbm>> -> memref<1000000x64xf32, #tpu.memory_space<hbm>>
    %dma_start3A_45 = tpu.memref_slice %arg8[%dma_start3A_34] : memref<4x!tpu.dma_semaphore, #tpu.memory_space<semaphore_mem>> -> memref<1x!tpu.dma_semaphore, #tpu.memory_space<semaphore_mem>>
    %dma_start3A_46 = tpu.memref_squeeze %dma_start3A_45 : memref<1x!tpu.dma_semaphore, #tpu.memory_space<semaphore_mem>> -> memref<!tpu.dma_semaphore, #tpu.memory_space<semaphore_mem>>
    tpu.enqueue_indirect_dma source(%dma_start3A_44 : memref<1000000x64xf32, #tpu.memory_space<hbm>>) target(%dma_start3A_38 : memref<128x64xf32, #tpu.memory_space<vmem>>) offsets(%dma_start3A_41 : memref<128xi32, #tpu.memory_space<vmem>>) semaphore(%dma_start3A_46 : memref<!tpu.dma_semaphore, #tpu.memory_space<semaphore_mem>>)
    %dma_start3A_47 = arith.constant 3 : i32
    %dma_start3A_48 = arith.constant 3 : i32
    %dma_start3A_49 = arith.constant 3 : i32
    %dma_start3A_50 = arith.constant 0 : i32
    %dma_start3A_51 = arith.constant 0 : i32
    %dma_start3A_52 = tpu.memref_slice %arg6[%dma_start3A_48, %dma_start3A_50, %dma_start3A_51] : memref<4x128x64xf32, #tpu.memory_space<vmem>> -> memref<1x128x64xf32, #tpu.memory_space<vmem>>
    %dma_start3A_53 = tpu.memref_squeeze %dma_start3A_52 : memref<1x128x64xf32, #tpu.memory_space<vmem>> -> memref<128x64xf32, #tpu.memory_space<vmem>>
    %dma_start3A_54 = arith.constant 0 : i32
    %dma_start3A_55 = tpu.memref_slice %arg5[%dma_start3A_47, %dma_start3A_54] : memref<200x128xi32, #tpu.memory_space<vmem>> -> memref<1x128xi32, #tpu.memory_space<vmem>>
    %dma_start3A_56 = tpu.memref_squeeze %dma_start3A_55 : memref<1x128xi32, #tpu.memory_space<vmem>> -> memref<128xi32, #tpu.memory_space<vmem>>
    %dma_start3A_57 = arith.constant 0 : i32
    %dma_start3A_58 = arith.constant 0 : i32
    %dma_start3A_59 = tpu.memref_slice %arg3[%dma_start3A_57, %dma_start3A_58] : memref<1000000x64xf32, #tpu.memory_space<hbm>> -> memref<1000000x64xf32, #tpu.memory_space<hbm>>
    %dma_start3A_60 = tpu.memref_slice %arg8[%dma_start3A_49] : memref<4x!tpu.dma_semaphore, #tpu.memory_space<semaphore_mem>> -> memref<1x!tpu.dma_semaphore, #tpu.memory_space<semaphore_mem>>
    %dma_start3A_61 = tpu.memref_squeeze %dma_start3A_60 : memref<1x!tpu.dma_semaphore, #tpu.memory_space<semaphore_mem>> -> memref<!tpu.dma_semaphore, #tpu.memory_space<semaphore_mem>>
    tpu.enqueue_indirect_dma source(%dma_start3A_59 : memref<1000000x64xf32, #tpu.memory_space<hbm>>) target(%dma_start3A_53 : memref<128x64xf32, #tpu.memory_space<vmem>>) offsets(%dma_start3A_56 : memref<128xi32, #tpu.memory_space<vmem>>) semaphore(%dma_start3A_61 : memref<!tpu.dma_semaphore, #tpu.memory_space<semaphore_mem>>)
    %scan3A = arith.constant 0 : i32
    %scan3A_62 = arith.constant 0 : i32
    %scan3A_63 = arith.constant 50 : i32
    %scan3A_64 = arith.addi %scan3A_62, %scan3A_63 : i32
    %scan3A_65 = arith.constant 1 : i32
    scf.for %scan3A_154 = %scan3A_62 to %scan3A_64 step %scan3A_65  : i32 {
      %mul3A_155 = arith.constant 4 : i32
      %mul3A_156 = arith.muli %scan3A_154, %mul3A_155 : i32
      %add3A_157 = arith.constant 0 : i32
      %add3A_158 = arith.addi %mul3A_156, %add3A_157 : i32
      %ge3A = arith.constant 4 : i32
      %ge3A_159 = arith.cmpi sge, %add3A_158, %ge3A : i32
      %convert_element_type3A = arith.extui %ge3A_159 : i1 to i32
      %cond3A = arith.constant 0 : i32
      %cond3A_160 = arith.cmpi ne, %convert_element_type3A, %cond3A : i32
      scf.if %cond3A_160 {
        %sub3A = arith.constant 4 : i32
        %sub3A_387 = arith.subi %add3A_158, %sub3A : i32
        %mul3A_388 = arith.constant 200 : i32
        %mul3A_389 = arith.muli %add3A, %mul3A_388 : i32
        %add3A_390 = arith.addi %mul3A_389, %sub3A_387 : i32
        %mul3A_391 = arith.constant 128 : i32
        %mul3A_392 = arith.muli %add3A_390, %mul3A_391 : i32
        %dma_wait3A_393 = arith.constant 0 : i32
        %dma_wait3A_394 = arith.constant 0 : i32
        %dma_wait3A_395 = arith.constant 0 : i32
        %dma_wait3A_396 = arith.constant 0 : i32
        %dma_wait3A_397 = tpu.memref_slice %arg7[%dma_wait3A_393, %dma_wait3A_395, %dma_wait3A_396] : memref<4x128x64xf32, #tpu.memory_space<vmem>> -> memref<1x128x64xf32, #tpu.memory_space<vmem>>
        %dma_wait3A_398 = tpu.memref_squeeze %dma_wait3A_397 : memref<1x128x64xf32, #tpu.memory_space<vmem>> -> memref<128x64xf32, #tpu.memory_space<vmem>>
        %dma_wait3A_399 = arith.constant 0 : i32
        %dma_wait3A_400 = tpu.memref_slice %arg4[%mul3A_392, %dma_wait3A_399] : memref<819200x64xf32, #tpu.memory_space<hbm>> -> memref<128x64xf32, #tpu.memory_space<hbm>>
        %dma_wait3A_401 = tpu.memref_slice %arg9[%dma_wait3A_394] : memref<4x!tpu.dma_semaphore, #tpu.memory_space<semaphore_mem>> -> memref<1x!tpu.dma_semaphore, #tpu.memory_space<semaphore_mem>>
        %dma_wait3A_402 = tpu.memref_squeeze %dma_wait3A_401 : memref<1x!tpu.dma_semaphore, #tpu.memory_space<semaphore_mem>> -> memref<!tpu.dma_semaphore, #tpu.memory_space<semaphore_mem>>
        %dma_wait3A_403 = arith.constant 0 : i32
        %dma_wait3A_404 = tpu.memref_slice %arg4[%mul3A_392, %dma_wait3A_403] : memref<819200x64xf32, #tpu.memory_space<hbm>> -> memref<128x64xf32, #tpu.memory_space<hbm>>
        %dma_wait3A_405 = arith.constant 0 : i32
        %dma_wait3A_406 = arith.constant 0 : i32
        %dma_wait3A_407 = tpu.memref_slice %arg7[%dma_wait3A_393, %dma_wait3A_405, %dma_wait3A_406] : memref<4x128x64xf32, #tpu.memory_space<vmem>> -> memref<1x128x64xf32, #tpu.memory_space<vmem>>
        %dma_wait3A_408 = tpu.memref_squeeze %dma_wait3A_407 : memref<1x128x64xf32, #tpu.memory_space<vmem>> -> memref<128x64xf32, #tpu.memory_space<vmem>>
        tpu.wait_dma2 semaphore(%dma_wait3A_402 : memref<!tpu.dma_semaphore, #tpu.memory_space<semaphore_mem>>) src(%dma_wait3A_408 : memref<128x64xf32, #tpu.memory_space<vmem>>) dst(%dma_wait3A_404 : memref<128x64xf32, #tpu.memory_space<hbm>>)
      } else {
      }
      %dma_wait3A_161 = arith.constant 0 : i32
      %dma_wait3A_162 = arith.constant 0 : i32
      %dma_wait3A_163 = arith.constant 0 : i32
      %dma_wait3A_164 = arith.constant 0 : i32
      %dma_wait3A_165 = tpu.memref_slice %arg6[%dma_wait3A_161, %dma_wait3A_163, %dma_wait3A_164] : memref<4x128x64xf32, #tpu.memory_space<vmem>> -> memref<1x128x64xf32, #tpu.memory_space<vmem>>
      %dma_wait3A_166 = tpu.memref_squeeze %dma_wait3A_165 : memref<1x128x64xf32, #tpu.memory_space<vmem>> -> memref<128x64xf32, #tpu.memory_space<vmem>>
      %dma_wait3A_167 = arith.constant 0 : i32
      %dma_wait3A_168 = tpu.memref_slice %arg5[%add3A_158, %dma_wait3A_167] : memref<200x128xi32, #tpu.memory_space<vmem>> -> memref<1x128xi32, #tpu.memory_space<vmem>>
      %dma_wait3A_169 = tpu.memref_squeeze %dma_wait3A_168 : memref<1x128xi32, #tpu.memory_space<vmem>> -> memref<128xi32, #tpu.memory_space<vmem>>
      %dma_wait3A_170 = arith.constant 0 : i32
      %dma_wait3A_171 = arith.constant 0 : i32
      %dma_wait3A_172 = tpu.memref_slice %arg3[%dma_wait3A_170, %dma_wait3A_171] : memref<1000000x64xf32, #tpu.memory_space<hbm>> -> memref<1000000x64xf32, #tpu.memory_space<hbm>>
      %dma_wait3A_173 = tpu.memref_slice %arg8[%dma_wait3A_162] : memref<4x!tpu.dma_semaphore, #tpu.memory_space<semaphore_mem>> -> memref<1x!tpu.dma_semaphore, #tpu.memory_space<semaphore_mem>>
      %dma_wait3A_174 = tpu.memref_squeeze %dma_wait3A_173 : memref<1x!tpu.dma_semaphore, #tpu.memory_space<semaphore_mem>> -> memref<!tpu.dma_semaphore, #tpu.memory_space<semaphore_mem>>
      tpu.wait_indirect_dma semaphore(%dma_wait3A_174 : memref<!tpu.dma_semaphore, #tpu.memory_space<semaphore_mem>>) src(%dma_wait3A_172 : memref<1000000x64xf32, #tpu.memory_space<hbm>>) dst(%dma_wait3A_166 : memref<128x64xf32, #tpu.memory_space<vmem>>)
      %scan3A_175 = arith.constant 0 : i32
      %scan3A_176 = arith.constant 0 : i32
      %scan3A_177 = arith.constant 0 : i32
      %scan3A_178 = arith.constant 0 : i32
      %scan3A_179 = arith.constant 128 : i32
      %scan3A_180 = arith.addi %scan3A_178, %scan3A_179 : i32
      %scan3A_181 = arith.constant 1 : i32
      scf.for %scan3A_387 = %scan3A_178 to %scan3A_180 step %scan3A_181  : i32 {
        %get3A = arith.constant 0 : i32
        %get3A_388 = arith.constant 0 : i32
        %get3A_389 = tpu.memref_slice %arg6[%scan3A_176, %get3A, %get3A_388] : memref<4x128x64xf32, #tpu.memory_space<vmem>> -> memref<1x128x64xf32, #tpu.memory_space<vmem>>
        %get3A_390 = tpu.memref_squeeze %get3A_389 : memref<1x128x64xf32, #tpu.memory_space<vmem>> -> memref<128x64xf32, #tpu.memory_space<vmem>>
        %get3A_391 = arith.index_cast %scan3A_387 : i32 to index
        %get3A_392 = arith.constant 0 : index
        %get3A_393 = tpu.vector_load %get3A_390[%get3A_391, %get3A_392] {strides = array<i32>} : memref<128x64xf32, #tpu.memory_space<vmem>>, vector<16xf32>,
        %get3A_394 = arith.constant 0 : i32
        %get3A_395 = arith.constant 0 : i32
        %get3A_396 = tpu.memref_slice %arg6[%scan3A_176, %get3A_394, %get3A_395] : memref<4x128x64xf32, #tpu.memory_space<vmem>> -> memref<1x128x64xf32, #tpu.memory_space<vmem>>
        %get3A_397 = tpu.memref_squeeze %get3A_396 : memref<1x128x64xf32, #tpu.memory_space<vmem>> -> memref<128x64xf32, #tpu.memory_space<vmem>>
        %get3A_398 = arith.index_cast %scan3A_387 : i32 to index
        %get3A_399 = arith.constant 16 : index
        %get3A_400 = tpu.vector_load %get3A_397[%get3A_398, %get3A_399] {strides = array<i32>} : memref<128x64xf32, #tpu.memory_space<vmem>>, vector<16xf32>,
        %get3A_401 = arith.constant 0 : i32
        %get3A_402 = arith.constant 0 : i32
        %get3A_403 = tpu.memref_slice %arg6[%scan3A_176, %get3A_401, %get3A_402] : memref<4x128x64xf32, #tpu.memory_space<vmem>> -> memref<1x128x64xf32, #tpu.memory_space<vmem>>
        %get3A_404 = tpu.memref_squeeze %get3A_403 : memref<1x128x64xf32, #tpu.memory_space<vmem>> -> memref<128x64xf32, #tpu.memory_space<vmem>>
        %get3A_405 = arith.index_cast %scan3A_387 : i32 to index
        %get3A_406 = arith.constant 32 : index
        %get3A_407 = tpu.vector_load %get3A_404[%get3A_405, %get3A_406] {strides = array<i32>} : memref<128x64xf32, #tpu.memory_space<vmem>>, vector<16xf32>,
        %get3A_408 = arith.constant 0 : i32
        %get3A_409 = arith.constant 0 : i32
        %get3A_410 = tpu.memref_slice %arg6[%scan3A_176, %get3A_408, %get3A_409] : memref<4x128x64xf32, #tpu.memory_space<vmem>> -> memref<1x128x64xf32, #tpu.memory_space<vmem>>
        %get3A_411 = tpu.memref_squeeze %get3A_410 : memref<1x128x64xf32, #tpu.memory_space<vmem>> -> memref<128x64xf32, #tpu.memory_space<vmem>>
        %get3A_412 = arith.index_cast %scan3A_387 : i32 to index
        %get3A_413 = arith.constant 48 : index
        %get3A_414 = tpu.vector_load %get3A_411[%get3A_412, %get3A_413] {strides = array<i32>} : memref<128x64xf32, #tpu.memory_space<vmem>>, vector<16xf32>,
        %mul3A_415 = arith.mulf %get3A_393, %get3A_393 : vector<16xf32>
        %mul3A_416 = arith.mulf %get3A_400, %get3A_400 : vector<16xf32>
        %add3A_417 = arith.addf %mul3A_415, %mul3A_416 : vector<16xf32>
        %mul3A_418 = arith.mulf %get3A_407, %get3A_407 : vector<16xf32>
        %add3A_419 = arith.addf %add3A_417, %mul3A_418 : vector<16xf32>
        %mul3A_420 = arith.mulf %get3A_414, %get3A_414 : vector<16xf32>
        %add3A_421 = arith.addf %add3A_419, %mul3A_420 : vector<16xf32>
        %iota3A = tpu.iota {dimensions = array<i32: 0>} : vector<16xi32>
        %xor3A = arith.constant 8 : i32
        %xor3A_422 = vector.broadcast %xor3A : i32 to vector<16xi32>
        %xor3A_423 = arith.xori %iota3A, %xor3A_422 : vector<16xi32>
        %broadcast_in_dim3A = vector.shape_cast %xor3A_423 : vector<16xi32> to vector<16x1xi32>
        %gather3A = vector.shape_cast %broadcast_in_dim3A : vector<16x1xi32> to vector<16xi32>
        %gather3A_424 = tpu.dynamic_gather %add3A_421[%gather3A] in [0] : vector<16xf32>, vector<16xi32> -> vector<16xf32>
        %add3A_425 = arith.addf %add3A_421, %gather3A_424 : vector<16xf32>
        %xor3A_426 = arith.constant 4 : i32
        %xor3A_427 = vector.broadcast %xor3A_426 : i32 to vector<16xi32>
        %xor3A_428 = arith.xori %iota3A, %xor3A_427 : vector<16xi32>
        %broadcast_in_dim3A_429 = vector.shape_cast %xor3A_428 : vector<16xi32> to vector<16x1xi32>
        %gather3A_430 = vector.shape_cast %broadcast_in_dim3A_429 : vector<16x1xi32> to vector<16xi32>
        %gather3A_431 = tpu.dynamic_gather %add3A_425[%gather3A_430] in [0] : vector<16xf32>, vector<16xi32> -> vector<16xf32>
        %add3A_432 = arith.addf %add3A_425, %gather3A_431 : vector<16xf32>
        %xor3A_433 = arith.constant 2 : i32
        %xor3A_434 = vector.broadcast %xor3A_433 : i32 to vector<16xi32>
        %xor3A_435 = arith.xori %iota3A, %xor3A_434 : vector<16xi32>
        %broadcast_in_dim3A_436 = vector.shape_cast %xor3A_435 : vector<16xi32> to vector<16x1xi32>
        %gather3A_437 = vector.shape_cast %broadcast_in_dim3A_436 : vector<16x1xi32> to vector<16xi32>
        %gather3A_438 = tpu.dynamic_gather %add3A_432[%gather3A_437] in [0] : vector<16xf32>, vector<16xi32> -> vector<16xf32>
        %add3A_439 = arith.addf %add3A_432, %gather3A_438 : vector<16xf32>
        %xor3A_440 = arith.constant 1 : i32
        %xor3A_441 = vector.broadcast %xor3A_440 : i32 to vector<16xi32>
        %xor3A_442 = arith.xori %iota3A, %xor3A_441 : vector<16xi32>
        %broadcast_in_dim3A_443 = vector.shape_cast %xor3A_442 : vector<16xi32> to vector<16x1xi32>
        %gather3A_444 = vector.shape_cast %broadcast_in_dim3A_443 : vector<16x1xi32> to vector<16xi32>
        %gather3A_445 = tpu.dynamic_gather %add3A_439[%gather3A_444] in [0] : vector<16xf32>, vector<16xi32> -> vector<16xf32>
        %add3A_446 = arith.addf %add3A_439, %gather3A_445 : vector<16xf32>
        %bitcast3A = vector.bitcast %add3A_446 : vector<16xf32> to vector<16xi32>
        %shift_right_logical3A = arith.constant 1 : i32
        %shift_right_logical3A_447 = vector.broadcast %shift_right_logical3A : i32 to vector<16xi32>
        %shift_right_logical3A_448 = arith.shrui %bitcast3A, %shift_right_logical3A_447 : vector<16xi32>
        %sub3A = arith.constant 1597463007 : i32
        %sub3A_449 = vector.broadcast %sub3A : i32 to vector<16xi32>
        %sub3A_450 = arith.subi %sub3A_449, %shift_right_logical3A_448 : vector<16xi32>
        %bitcast3A_451 = vector.bitcast %sub3A_450 : vector<16xi32> to vector<16xf32>
        %mul3A_452 = arith.constant 5.000000e-01 : f32
        %mul3A_453 = vector.broadcast %mul3A_452 : f32 to vector<16xf32>
        %mul3A_454 = arith.mulf %mul3A_453, %add3A_446 : vector<16xf32>
        %mul3A_455 = arith.mulf %mul3A_454, %bitcast3A_451 : vector<16xf32>
        %mul3A_456 = arith.mulf %mul3A_455, %bitcast3A_451 : vector<16xf32>
        %sub3A_457 = arith.constant 1.500000e+00 : f32
        %sub3A_458 = vector.broadcast %sub3A_457 : f32 to vector<16xf32>
        %sub3A_459 = arith.subf %sub3A_458, %mul3A_456 : vector<16xf32>
        %mul3A_460 = arith.mulf %bitcast3A_451, %sub3A_459 : vector<16xf32>
        %mul3A_461 = arith.constant 5.000000e-01 : f32
        %mul3A_462 = vector.broadcast %mul3A_461 : f32 to vector<16xf32>
        %mul3A_463 = arith.mulf %mul3A_462, %add3A_446 : vector<16xf32>
        %mul3A_464 = arith.mulf %mul3A_463, %mul3A_460 : vector<16xf32>
        %mul3A_465 = arith.mulf %mul3A_464, %mul3A_460 : vector<16xf32>
        %sub3A_466 = arith.constant 1.500000e+00 : f32
        %sub3A_467 = vector.broadcast %sub3A_466 : f32 to vector<16xf32>
        %sub3A_468 = arith.subf %sub3A_467, %mul3A_465 : vector<16xf32>
        %mul3A_469 = arith.mulf %mul3A_460, %sub3A_468 : vector<16xf32>
        %mul3A_470 = arith.constant 5.000000e-01 : f32
        %mul3A_471 = vector.broadcast %mul3A_470 : f32 to vector<16xf32>
        %mul3A_472 = arith.mulf %mul3A_471, %add3A_446 : vector<16xf32>
        %mul3A_473 = arith.mulf %mul3A_472, %mul3A_469 : vector<16xf32>
        %mul3A_474 = arith.mulf %mul3A_473, %mul3A_469 : vector<16xf32>
        %sub3A_475 = arith.constant 1.500000e+00 : f32
        %sub3A_476 = vector.broadcast %sub3A_475 : f32 to vector<16xf32>
        %sub3A_477 = arith.subf %sub3A_476, %mul3A_474 : vector<16xf32>
        %mul3A_478 = arith.mulf %mul3A_469, %sub3A_477 : vector<16xf32>
        %mul3A_479 = arith.mulf %get3A_393, %mul3A_478 : vector<16xf32>
        %swap3A = arith.constant 0 : i32
        %swap3A_480 = arith.constant 0 : i32
        %swap3A_481 = tpu.memref_slice %arg7[%scan3A_177, %swap3A, %swap3A_480] : memref<4x128x64xf32, #tpu.memory_space<vmem>> -> memref<1x128x64xf32, #tpu.memory_space<vmem>>
        %swap3A_482 = tpu.memref_squeeze %swap3A_481 : memref<1x128x64xf32, #tpu.memory_space<vmem>> -> memref<128x64xf32, #tpu.memory_space<vmem>>
        %swap3A_483 = arith.index_cast %scan3A_387 : i32 to index
        %swap3A_484 = arith.constant 0 : index
        %swap3A_485 = tpu.vector_load %swap3A_482[%swap3A_483, %swap3A_484] {strides = array<i32>} : memref<128x64xf32, #tpu.memory_space<vmem>>, vector<16xf32>,
        tpu.vector_store %swap3A_482[%swap3A_483, %swap3A_484], %mul3A_479 {strides = array<i32>} : memref<128x64xf32, #tpu.memory_space<vmem>>, vector<16xf32>,
        %mul3A_486 = arith.mulf %get3A_400, %mul3A_478 : vector<16xf32>
        %swap3A_487 = arith.constant 0 : i32
        %swap3A_488 = arith.constant 0 : i32
        %swap3A_489 = tpu.memref_slice %arg7[%scan3A_177, %swap3A_487, %swap3A_488] : memref<4x128x64xf32, #tpu.memory_space<vmem>> -> memref<1x128x64xf32, #tpu.memory_space<vmem>>
        %swap3A_490 = tpu.memref_squeeze %swap3A_489 : memref<1x128x64xf32, #tpu.memory_space<vmem>> -> memref<128x64xf32, #tpu.memory_space<vmem>>
        %swap3A_491 = arith.index_cast %scan3A_387 : i32 to index
        %swap3A_492 = arith.constant 16 : index
        %swap3A_493 = tpu.vector_load %swap3A_490[%swap3A_491, %swap3A_492] {strides = array<i32>} : memref<128x64xf32, #tpu.memory_space<vmem>>, vector<16xf32>,
        tpu.vector_store %swap3A_490[%swap3A_491, %swap3A_492], %mul3A_486 {strides = array<i32>} : memref<128x64xf32, #tpu.memory_space<vmem>>, vector<16xf32>,
        %mul3A_494 = arith.mulf %get3A_407, %mul3A_478 : vector<16xf32>
        %swap3A_495 = arith.constant 0 : i32
        %swap3A_496 = arith.constant 0 : i32
        %swap3A_497 = tpu.memref_slice %arg7[%scan3A_177, %swap3A_495, %swap3A_496] : memref<4x128x64xf32, #tpu.memory_space<vmem>> -> memref<1x128x64xf32, #tpu.memory_space<vmem>>
        %swap3A_498 = tpu.memref_squeeze %swap3A_497 : memref<1x128x64xf32, #tpu.memory_space<vmem>> -> memref<128x64xf32, #tpu.memory_space<vmem>>
        %swap3A_499 = arith.index_cast %scan3A_387 : i32 to index
        %swap3A_500 = arith.constant 32 : index
        %swap3A_501 = tpu.vector_load %swap3A_498[%swap3A_499, %swap3A_500] {strides = array<i32>} : memref<128x64xf32, #tpu.memory_space<vmem>>, vector<16xf32>,
        tpu.vector_store %swap3A_498[%swap3A_499, %swap3A_500], %mul3A_494 {strides = array<i32>} : memref<128x64xf32, #tpu.memory_space<vmem>>, vector<16xf32>,
        %mul3A_502 = arith.mulf %get3A_414, %mul3A_478 : vector<16xf32>
        %swap3A_503 = arith.constant 0 : i32
        %swap3A_504 = arith.constant 0 : i32
        %swap3A_505 = tpu.memref_slice %arg7[%scan3A_177, %swap3A_503, %swap3A_504] : memref<4x128x64xf32, #tpu.memory_space<vmem>> -> memref<1x128x64xf32, #tpu.memory_space<vmem>>
        %swap3A_506 = tpu.memref_squeeze %swap3A_505 : memref<1x128x64xf32, #tpu.memory_space<vmem>> -> memref<128x64xf32, #tpu.memory_space<vmem>>
        %swap3A_507 = arith.index_cast %scan3A_387 : i32 to index
        %swap3A_508 = arith.constant 48 : index
        %swap3A_509 = tpu.vector_load %swap3A_506[%swap3A_507, %swap3A_508] {strides = array<i32>} : memref<128x64xf32, #tpu.memory_space<vmem>>, vector<16xf32>,
        tpu.vector_store %swap3A_506[%swap3A_507, %swap3A_508], %mul3A_502 {strides = array<i32>} : memref<128x64xf32, #tpu.memory_space<vmem>>, vector<16xf32>,
      }
      %scan3A_182 = arith.constant 128 : i32
      %mul3A_183 = arith.constant 200 : i32
      %mul3A_184 = arith.muli %add3A, %mul3A_183 : i32
      %add3A_185 = arith.addi %mul3A_184, %add3A_158 : i32
      %mul3A_186 = arith.constant 128 : i32
      %mul3A_187 = arith.muli %add3A_185, %mul3A_186 : i32
      %dma_start3A_188 = arith.constant 0 : i32
      %dma_start3A_189 = arith.constant 0 : i32
      %dma_start3A_190 = arith.constant 0 : i32
      %dma_start3A_191 = arith.constant 0 : i32
      %dma_start3A_192 = tpu.memref_slice %arg7[%dma_start3A_188, %dma_start3A_190, %dma_start3A_191] : memref<4x128x64xf32, #tpu.memory_space<vmem>> -> memref<1x128x64xf32, #tpu.memory_space<vmem>>
      %dma_start3A_193 = tpu.memref_squeeze %dma_start3A_192 : memref<1x128x64xf32, #tpu.memory_space<vmem>> -> memref<128x64xf32, #tpu.memory_space<vmem>>
      %dma_start3A_194 = arith.constant 0 : i32
      %dma_start3A_195 = tpu.memref_slice %arg4[%mul3A_187, %dma_start3A_194] : memref<819200x64xf32, #tpu.memory_space<hbm>> -> memref<128x64xf32, #tpu.memory_space<hbm>>
      %dma_start3A_196 = tpu.memref_slice %arg9[%dma_start3A_189] : memref<4x!tpu.dma_semaphore, #tpu.memory_space<semaphore_mem>> -> memref<1x!tpu.dma_semaphore, #tpu.memory_space<semaphore_mem>>
      %dma_start3A_197 = tpu.memref_squeeze %dma_start3A_196 : memref<1x!tpu.dma_semaphore, #tpu.memory_space<semaphore_mem>> -> memref<!tpu.dma_semaphore, #tpu.memory_space<semaphore_mem>>
      %dma_start3A_198 = arith.constant 0 : i32
      %dma_start3A_199 = tpu.memref_slice %arg4[%mul3A_187, %dma_start3A_198] : memref<819200x64xf32, #tpu.memory_space<hbm>> -> memref<128x64xf32, #tpu.memory_space<hbm>>
      %dma_start3A_200 = arith.constant 0 : i32
      %dma_start3A_201 = arith.constant 0 : i32
      %dma_start3A_202 = tpu.memref_slice %arg7[%dma_start3A_188, %dma_start3A_200, %dma_start3A_201] : memref<4x128x64xf32, #tpu.memory_space<vmem>> -> memref<1x128x64xf32, #tpu.memory_space<vmem>>
      %dma_start3A_203 = tpu.memref_squeeze %dma_start3A_202 : memref<1x128x64xf32, #tpu.memory_space<vmem>> -> memref<128x64xf32, #tpu.memory_space<vmem>>
      tpu.enqueue_dma source(%dma_start3A_203 : memref<128x64xf32, #tpu.memory_space<vmem>>) target(%dma_start3A_199 : memref<128x64xf32, #tpu.memory_space<hbm>>) target_semaphore(%dma_start3A_197 : memref<!tpu.dma_semaphore, #tpu.memory_space<semaphore_mem>>)
      %add3A_204 = arith.constant 4 : i32
      %add3A_205 = arith.addi %add3A_158, %add3A_204 : i32
      %lt3A = arith.constant 200 : i32
      %lt3A_206 = arith.cmpi slt, %add3A_205, %lt3A : i32
      %convert_element_type3A_207 = arith.extui %lt3A_206 : i1 to i32
      %cond3A_208 = arith.constant 0 : i32
      %cond3A_209 = arith.cmpi ne, %convert_element_type3A_207, %cond3A_208 : i32
      scf.if %cond3A_209 {
        %add3A_387 = arith.constant 4 : i32
        %add3A_388 = arith.addi %add3A_158, %add3A_387 : i32
        %dma_start3A_389 = arith.constant 0 : i32
        %dma_start3A_390 = arith.constant 0 : i32
        %dma_start3A_391 = arith.constant 0 : i32
        %dma_start3A_392 = arith.constant 0 : i32
        %dma_start3A_393 = tpu.memref_slice %arg6[%dma_start3A_389, %dma_start3A_391, %dma_start3A_392] : memref<4x128x64xf32, #tpu.memory_space<vmem>> -> memref<1x128x64xf32, #tpu.memory_space<vmem>>
        %dma_start3A_394 = tpu.memref_squeeze %dma_start3A_393 : memref<1x128x64xf32, #tpu.memory_space<vmem>> -> memref<128x64xf32, #tpu.memory_space<vmem>>
        %dma_start3A_395 = arith.constant 0 : i32
        %dma_start3A_396 = tpu.memref_slice %arg5[%add3A_388, %dma_start3A_395] : memref<200x128xi32, #tpu.memory_space<vmem>> -> memref<1x128xi32, #tpu.memory_space<vmem>>
        %dma_start3A_397 = tpu.memref_squeeze %dma_start3A_396 : memref<1x128xi32, #tpu.memory_space<vmem>> -> memref<128xi32, #tpu.memory_space<vmem>>
        %dma_start3A_398 = arith.constant 0 : i32
        %dma_start3A_399 = arith.constant 0 : i32
        %dma_start3A_400 = tpu.memref_slice %arg3[%dma_start3A_398, %dma_start3A_399] : memref<1000000x64xf32, #tpu.memory_space<hbm>> -> memref<1000000x64xf32, #tpu.memory_space<hbm>>
        %dma_start3A_401 = tpu.memref_slice %arg8[%dma_start3A_390] : memref<4x!tpu.dma_semaphore, #tpu.memory_space<semaphore_mem>> -> memref<1x!tpu.dma_semaphore, #tpu.memory_space<semaphore_mem>>
        %dma_start3A_402 = tpu.memref_squeeze %dma_start3A_401 : memref<1x!tpu.dma_semaphore, #tpu.memory_space<semaphore_mem>> -> memref<!tpu.dma_semaphore, #tpu.memory_space<semaphore_mem>>
        tpu.enqueue_indirect_dma source(%dma_start3A_400 : memref<1000000x64xf32, #tpu.memory_space<hbm>>) target(%dma_start3A_394 : memref<128x64xf32, #tpu.memory_space<vmem>>) offsets(%dma_start3A_397 : memref<128xi32, #tpu.memory_space<vmem>>) semaphore(%dma_start3A_402 : memref<!tpu.dma_semaphore, #tpu.memory_space<semaphore_mem>>)
      } else {
      }
      %mul3A_210 = arith.constant 4 : i32
      %mul3A_211 = arith.muli %scan3A_154, %mul3A_210 : i32
      %add3A_212 = arith.constant 1 : i32
      %add3A_213 = arith.addi %mul3A_211, %add3A_212 : i32
      %ge3A_214 = arith.constant 4 : i32
      %ge3A_215 = arith.cmpi sge, %add3A_213, %ge3A_214 : i32
      %convert_element_type3A_216 = arith.extui %ge3A_215 : i1 to i32
      %cond3A_217 = arith.constant 0 : i32
      %cond3A_218 = arith.cmpi ne, %convert_element_type3A_216, %cond3A_217 : i32
      scf.if %cond3A_218 {
        %sub3A = arith.constant 4 : i32
        %sub3A_387 = arith.subi %add3A_213, %sub3A : i32
        %mul3A_388 = arith.constant 200 : i32
        %mul3A_389 = arith.muli %add3A, %mul3A_388 : i32
        %add3A_390 = arith.addi %mul3A_389, %sub3A_387 : i32
        %mul3A_391 = arith.constant 128 : i32
        %mul3A_392 = arith.muli %add3A_390, %mul3A_391 : i32
        %dma_wait3A_393 = arith.constant 1 : i32
        %dma_wait3A_394 = arith.constant 1 : i32
        %dma_wait3A_395 = arith.constant 0 : i32
        %dma_wait3A_396 = arith.constant 0 : i32
        %dma_wait3A_397 = tpu.memref_slice %arg7[%dma_wait3A_393, %dma_wait3A_395, %dma_wait3A_396] : memref<4x128x64xf32, #tpu.memory_space<vmem>> -> memref<1x128x64xf32, #tpu.memory_space<vmem>>
        %dma_wait3A_398 = tpu.memref_squeeze %dma_wait3A_397 : memref<1x128x64xf32, #tpu.memory_space<vmem>> -> memref<128x64xf32, #tpu.memory_space<vmem>>
        %dma_wait3A_399 = arith.constant 0 : i32
        %dma_wait3A_400 = tpu.memref_slice %arg4[%mul3A_392, %dma_wait3A_399] : memref<819200x64xf32, #tpu.memory_space<hbm>> -> memref<128x64xf32, #tpu.memory_space<hbm>>
        %dma_wait3A_401 = tpu.memref_slice %arg9[%dma_wait3A_394] : memref<4x!tpu.dma_semaphore, #tpu.memory_space<semaphore_mem>> -> memref<1x!tpu.dma_semaphore, #tpu.memory_space<semaphore_mem>>
        %dma_wait3A_402 = tpu.memref_squeeze %dma_wait3A_401 : memref<1x!tpu.dma_semaphore, #tpu.memory_space<semaphore_mem>> -> memref<!tpu.dma_semaphore, #tpu.memory_space<semaphore_mem>>
        %dma_wait3A_403 = arith.constant 0 : i32
        %dma_wait3A_404 = tpu.memref_slice %arg4[%mul3A_392, %dma_wait3A_403] : memref<819200x64xf32, #tpu.memory_space<hbm>> -> memref<128x64xf32, #tpu.memory_space<hbm>>
        %dma_wait3A_405 = arith.constant 0 : i32
        %dma_wait3A_406 = arith.constant 0 : i32
        %dma_wait3A_407 = tpu.memref_slice %arg7[%dma_wait3A_393, %dma_wait3A_405, %dma_wait3A_406] : memref<4x128x64xf32, #tpu.memory_space<vmem>> -> memref<1x128x64xf32, #tpu.memory_space<vmem>>
        %dma_wait3A_408 = tpu.memref_squeeze %dma_wait3A_407 : memref<1x128x64xf32, #tpu.memory_space<vmem>> -> memref<128x64xf32, #tpu.memory_space<vmem>>
        tpu.wait_dma2 semaphore(%dma_wait3A_402 : memref<!tpu.dma_semaphore, #tpu.memory_space<semaphore_mem>>) src(%dma_wait3A_408 : memref<128x64xf32, #tpu.memory_space<vmem>>) dst(%dma_wait3A_404 : memref<128x64xf32, #tpu.memory_space<hbm>>)
      } else {
      }
      %dma_wait3A_219 = arith.constant 1 : i32
      %dma_wait3A_220 = arith.constant 1 : i32
      %dma_wait3A_221 = arith.constant 0 : i32
      %dma_wait3A_222 = arith.constant 0 : i32
      %dma_wait3A_223 = tpu.memref_slice %arg6[%dma_wait3A_219, %dma_wait3A_221, %dma_wait3A_222] : memref<4x128x64xf32, #tpu.memory_space<vmem>> -> memref<1x128x64xf32, #tpu.memory_space<vmem>>
      %dma_wait3A_224 = tpu.memref_squeeze %dma_wait3A_223 : memref<1x128x64xf32, #tpu.memory_space<vmem>> -> memref<128x64xf32, #tpu.memory_space<vmem>>
      %dma_wait3A_225 = arith.constant 0 : i32
      %dma_wait3A_226 = tpu.memref_slice %arg5[%add3A_213, %dma_wait3A_225] : memref<200x128xi32, #tpu.memory_space<vmem>> -> memref<1x128xi32, #tpu.memory_space<vmem>>
      %dma_wait3A_227 = tpu.memref_squeeze %dma_wait3A_226 : memref<1x128xi32, #tpu.memory_space<vmem>> -> memref<128xi32, #tpu.memory_space<vmem>>
      %dma_wait3A_228 = arith.constant 0 : i32
      %dma_wait3A_229 = arith.constant 0 : i32
      %dma_wait3A_230 = tpu.memref_slice %arg3[%dma_wait3A_228, %dma_wait3A_229] : memref<1000000x64xf32, #tpu.memory_space<hbm>> -> memref<1000000x64xf32, #tpu.memory_space<hbm>>
      %dma_wait3A_231 = tpu.memref_slice %arg8[%dma_wait3A_220] : memref<4x!tpu.dma_semaphore, #tpu.memory_space<semaphore_mem>> -> memref<1x!tpu.dma_semaphore, #tpu.memory_space<semaphore_mem>>
      %dma_wait3A_232 = tpu.memref_squeeze %dma_wait3A_231 : memref<1x!tpu.dma_semaphore, #tpu.memory_space<semaphore_mem>> -> memref<!tpu.dma_semaphore, #tpu.memory_space<semaphore_mem>>
      tpu.wait_indirect_dma semaphore(%dma_wait3A_232 : memref<!tpu.dma_semaphore, #tpu.memory_space<semaphore_mem>>) src(%dma_wait3A_230 : memref<1000000x64xf32, #tpu.memory_space<hbm>>) dst(%dma_wait3A_224 : memref<128x64xf32, #tpu.memory_space<vmem>>)
      %scan3A_233 = arith.constant 0 : i32
      %scan3A_234 = arith.constant 1 : i32
      %scan3A_235 = arith.constant 1 : i32
      %scan3A_236 = arith.constant 0 : i32
      %scan3A_237 = arith.constant 128 : i32
      %scan3A_238 = arith.addi %scan3A_236, %scan3A_237 : i32
      %scan3A_239 = arith.constant 1 : i32
      scf.for %scan3A_387 = %scan3A_236 to %scan3A_238 step %scan3A_239  : i32 {
        %get3A = arith.constant 0 : i32
        %get3A_388 = arith.constant 0 : i32
        %get3A_389 = tpu.memref_slice %arg6[%scan3A_234, %get3A, %get3A_388] : memref<4x128x64xf32, #tpu.memory_space<vmem>> -> memref<1x128x64xf32, #tpu.memory_space<vmem>>
        %get3A_390 = tpu.memref_squeeze %get3A_389 : memref<1x128x64xf32, #tpu.memory_space<vmem>> -> memref<128x64xf32, #tpu.memory_space<vmem>>
        %get3A_391 = arith.index_cast %scan3A_387 : i32 to index
        %get3A_392 = arith.constant 0 : index
        %get3A_393 = tpu.vector_load %get3A_390[%get3A_391, %get3A_392] {strides = array<i32>} : memref<128x64xf32, #tpu.memory_space<vmem>>, vector<16xf32>,
        %get3A_394 = arith.constant 0 : i32
        %get3A_395 = arith.constant 0 : i32
        %get3A_396 = tpu.memref_slice %arg6[%scan3A_234, %get3A_394, %get3A_395] : memref<4x128x64xf32, #tpu.memory_space<vmem>> -> memref<1x128x64xf32, #tpu.memory_space<vmem>>
        %get3A_397 = tpu.memref_squeeze %get3A_396 : memref<1x128x64xf32, #tpu.memory_space<vmem>> -> memref<128x64xf32, #tpu.memory_space<vmem>>
        %get3A_398 = arith.index_cast %scan3A_387 : i32 to index
        %get3A_399 = arith.constant 16 : index
        %get3A_400 = tpu.vector_load %get3A_397[%get3A_398, %get3A_399] {strides = array<i32>} : memref<128x64xf32, #tpu.memory_space<vmem>>, vector<16xf32>,
        %get3A_401 = arith.constant 0 : i32
        %get3A_402 = arith.constant 0 : i32
        %get3A_403 = tpu.memref_slice %arg6[%scan3A_234, %get3A_401, %get3A_402] : memref<4x128x64xf32, #tpu.memory_space<vmem>> -> memref<1x128x64xf32, #tpu.memory_space<vmem>>
        %get3A_404 = tpu.memref_squeeze %get3A_403 : memref<1x128x64xf32, #tpu.memory_space<vmem>> -> memref<128x64xf32, #tpu.memory_space<vmem>>
        %get3A_405 = arith.index_cast %scan3A_387 : i32 to index
        %get3A_406 = arith.constant 32 : index
        %get3A_407 = tpu.vector_load %get3A_404[%get3A_405, %get3A_406] {strides = array<i32>} : memref<128x64xf32, #tpu.memory_space<vmem>>, vector<16xf32>,
        %get3A_408 = arith.constant 0 : i32
        %get3A_409 = arith.constant 0 : i32
        %get3A_410 = tpu.memref_slice %arg6[%scan3A_234, %get3A_408, %get3A_409] : memref<4x128x64xf32, #tpu.memory_space<vmem>> -> memref<1x128x64xf32, #tpu.memory_space<vmem>>
        %get3A_411 = tpu.memref_squeeze %get3A_410 : memref<1x128x64xf32, #tpu.memory_space<vmem>> -> memref<128x64xf32, #tpu.memory_space<vmem>>
        %get3A_412 = arith.index_cast %scan3A_387 : i32 to index
        %get3A_413 = arith.constant 48 : index
        %get3A_414 = tpu.vector_load %get3A_411[%get3A_412, %get3A_413] {strides = array<i32>} : memref<128x64xf32, #tpu.memory_space<vmem>>, vector<16xf32>,
        %mul3A_415 = arith.mulf %get3A_393, %get3A_393 : vector<16xf32>
        %mul3A_416 = arith.mulf %get3A_400, %get3A_400 : vector<16xf32>
        %add3A_417 = arith.addf %mul3A_415, %mul3A_416 : vector<16xf32>
        %mul3A_418 = arith.mulf %get3A_407, %get3A_407 : vector<16xf32>
        %add3A_419 = arith.addf %add3A_417, %mul3A_418 : vector<16xf32>
        %mul3A_420 = arith.mulf %get3A_414, %get3A_414 : vector<16xf32>
        %add3A_421 = arith.addf %add3A_419, %mul3A_420 : vector<16xf32>
        %iota3A = tpu.iota {dimensions = array<i32: 0>} : vector<16xi32>
        %xor3A = arith.constant 8 : i32
        %xor3A_422 = vector.broadcast %xor3A : i32 to vector<16xi32>
        %xor3A_423 = arith.xori %iota3A, %xor3A_422 : vector<16xi32>
        %broadcast_in_dim3A = vector.shape_cast %xor3A_423 : vector<16xi32> to vector<16x1xi32>
        %gather3A = vector.shape_cast %broadcast_in_dim3A : vector<16x1xi32> to vector<16xi32>
        %gather3A_424 = tpu.dynamic_gather %add3A_421[%gather3A] in [0] : vector<16xf32>, vector<16xi32> -> vector<16xf32>
        %add3A_425 = arith.addf %add3A_421, %gather3A_424 : vector<16xf32>
        %xor3A_426 = arith.constant 4 : i32
        %xor3A_427 = vector.broadcast %xor3A_426 : i32 to vector<16xi32>
        %xor3A_428 = arith.xori %iota3A, %xor3A_427 : vector<16xi32>
        %broadcast_in_dim3A_429 = vector.shape_cast %xor3A_428 : vector<16xi32> to vector<16x1xi32>
        %gather3A_430 = vector.shape_cast %broadcast_in_dim3A_429 : vector<16x1xi32> to vector<16xi32>
        %gather3A_431 = tpu.dynamic_gather %add3A_425[%gather3A_430] in [0] : vector<16xf32>, vector<16xi32> -> vector<16xf32>
        %add3A_432 = arith.addf %add3A_425, %gather3A_431 : vector<16xf32>
        %xor3A_433 = arith.constant 2 : i32
        %xor3A_434 = vector.broadcast %xor3A_433 : i32 to vector<16xi32>
        %xor3A_435 = arith.xori %iota3A, %xor3A_434 : vector<16xi32>
        %broadcast_in_dim3A_436 = vector.shape_cast %xor3A_435 : vector<16xi32> to vector<16x1xi32>
        %gather3A_437 = vector.shape_cast %broadcast_in_dim3A_436 : vector<16x1xi32> to vector<16xi32>
        %gather3A_438 = tpu.dynamic_gather %add3A_432[%gather3A_437] in [0] : vector<16xf32>, vector<16xi32> -> vector<16xf32>
        %add3A_439 = arith.addf %add3A_432, %gather3A_438 : vector<16xf32>
        %xor3A_440 = arith.constant 1 : i32
        %xor3A_441 = vector.broadcast %xor3A_440 : i32 to vector<16xi32>
        %xor3A_442 = arith.xori %iota3A, %xor3A_441 : vector<16xi32>
        %broadcast_in_dim3A_443 = vector.shape_cast %xor3A_442 : vector<16xi32> to vector<16x1xi32>
        %gather3A_444 = vector.shape_cast %broadcast_in_dim3A_443 : vector<16x1xi32> to vector<16xi32>
        %gather3A_445 = tpu.dynamic_gather %add3A_439[%gather3A_444] in [0] : vector<16xf32>, vector<16xi32> -> vector<16xf32>
        %add3A_446 = arith.addf %add3A_439, %gather3A_445 : vector<16xf32>
        %bitcast3A = vector.bitcast %add3A_446 : vector<16xf32> to vector<16xi32>
        %shift_right_logical3A = arith.constant 1 : i32
        %shift_right_logical3A_447 = vector.broadcast %shift_right_logical3A : i32 to vector<16xi32>
        %shift_right_logical3A_448 = arith.shrui %bitcast3A, %shift_right_logical3A_447 : vector<16xi32>
        %sub3A = arith.constant 1597463007 : i32
        %sub3A_449 = vector.broadcast %sub3A : i32 to vector<16xi32>
        %sub3A_450 = arith.subi %sub3A_449, %shift_right_logical3A_448 : vector<16xi32>
        %bitcast3A_451 = vector.bitcast %sub3A_450 : vector<16xi32> to vector<16xf32>
        %mul3A_452 = arith.constant 5.000000e-01 : f32
        %mul3A_453 = vector.broadcast %mul3A_452 : f32 to vector<16xf32>
        %mul3A_454 = arith.mulf %mul3A_453, %add3A_446 : vector<16xf32>
        %mul3A_455 = arith.mulf %mul3A_454, %bitcast3A_451 : vector<16xf32>
        %mul3A_456 = arith.mulf %mul3A_455, %bitcast3A_451 : vector<16xf32>
        %sub3A_457 = arith.constant 1.500000e+00 : f32
        %sub3A_458 = vector.broadcast %sub3A_457 : f32 to vector<16xf32>
        %sub3A_459 = arith.subf %sub3A_458, %mul3A_456 : vector<16xf32>
        %mul3A_460 = arith.mulf %bitcast3A_451, %sub3A_459 : vector<16xf32>
        %mul3A_461 = arith.constant 5.000000e-01 : f32
        %mul3A_462 = vector.broadcast %mul3A_461 : f32 to vector<16xf32>
        %mul3A_463 = arith.mulf %mul3A_462, %add3A_446 : vector<16xf32>
        %mul3A_464 = arith.mulf %mul3A_463, %mul3A_460 : vector<16xf32>
        %mul3A_465 = arith.mulf %mul3A_464, %mul3A_460 : vector<16xf32>
        %sub3A_466 = arith.constant 1.500000e+00 : f32
        %sub3A_467 = vector.broadcast %sub3A_466 : f32 to vector<16xf32>
        %sub3A_468 = arith.subf %sub3A_467, %mul3A_465 : vector<16xf32>
        %mul3A_469 = arith.mulf %mul3A_460, %sub3A_468 : vector<16xf32>
        %mul3A_470 = arith.constant 5.000000e-01 : f32
        %mul3A_471 = vector.broadcast %mul3A_470 : f32 to vector<16xf32>
        %mul3A_472 = arith.mulf %mul3A_471, %add3A_446 : vector<16xf32>
        %mul3A_473 = arith.mulf %mul3A_472, %mul3A_469 : vector<16xf32>
        %mul3A_474 = arith.mulf %mul3A_473, %mul3A_469 : vector<16xf32>
        %sub3A_475 = arith.constant 1.500000e+00 : f32
        %sub3A_476 = vector.broadcast %sub3A_475 : f32 to vector<16xf32>
        %sub3A_477 = arith.subf %sub3A_476, %mul3A_474 : vector<16xf32>
        %mul3A_478 = arith.mulf %mul3A_469, %sub3A_477 : vector<16xf32>
        %mul3A_479 = arith.mulf %get3A_393, %mul3A_478 : vector<16xf32>
        %swap3A = arith.constant 0 : i32
        %swap3A_480 = arith.constant 0 : i32
        %swap3A_481 = tpu.memref_slice %arg7[%scan3A_235, %swap3A, %swap3A_480] : memref<4x128x64xf32, #tpu.memory_space<vmem>> -> memref<1x128x64xf32, #tpu.memory_space<vmem>>
        %swap3A_482 = tpu.memref_squeeze %swap3A_481 : memref<1x128x64xf32, #tpu.memory_space<vmem>> -> memref<128x64xf32, #tpu.memory_space<vmem>>
        %swap3A_483 = arith.index_cast %scan3A_387 : i32 to index
        %swap3A_484 = arith.constant 0 : index
        %swap3A_485 = tpu.vector_load %swap3A_482[%swap3A_483, %swap3A_484] {strides = array<i32>} : memref<128x64xf32, #tpu.memory_space<vmem>>, vector<16xf32>,
        tpu.vector_store %swap3A_482[%swap3A_483, %swap3A_484], %mul3A_479 {strides = array<i32>} : memref<128x64xf32, #tpu.memory_space<vmem>>, vector<16xf32>,
        %mul3A_486 = arith.mulf %get3A_400, %mul3A_478 : vector<16xf32>
        %swap3A_487 = arith.constant 0 : i32
        %swap3A_488 = arith.constant 0 : i32
        %swap3A_489 = tpu.memref_slice %arg7[%scan3A_235, %swap3A_487, %swap3A_488] : memref<4x128x64xf32, #tpu.memory_space<vmem>> -> memref<1x128x64xf32, #tpu.memory_space<vmem>>
        %swap3A_490 = tpu.memref_squeeze %swap3A_489 : memref<1x128x64xf32, #tpu.memory_space<vmem>> -> memref<128x64xf32, #tpu.memory_space<vmem>>
        %swap3A_491 = arith.index_cast %scan3A_387 : i32 to index
        %swap3A_492 = arith.constant 16 : index
        %swap3A_493 = tpu.vector_load %swap3A_490[%swap3A_491, %swap3A_492] {strides = array<i32>} : memref<128x64xf32, #tpu.memory_space<vmem>>, vector<16xf32>,
        tpu.vector_store %swap3A_490[%swap3A_491, %swap3A_492], %mul3A_486 {strides = array<i32>} : memref<128x64xf32, #tpu.memory_space<vmem>>, vector<16xf32>,
        %mul3A_494 = arith.mulf %get3A_407, %mul3A_478 : vector<16xf32>
        %swap3A_495 = arith.constant 0 : i32
        %swap3A_496 = arith.constant 0 : i32
        %swap3A_497 = tpu.memref_slice %arg7[%scan3A_235, %swap3A_495, %swap3A_496] : memref<4x128x64xf32, #tpu.memory_space<vmem>> -> memref<1x128x64xf32, #tpu.memory_space<vmem>>
        %swap3A_498 = tpu.memref_squeeze %swap3A_497 : memref<1x128x64xf32, #tpu.memory_space<vmem>> -> memref<128x64xf32, #tpu.memory_space<vmem>>
        %swap3A_499 = arith.index_cast %scan3A_387 : i32 to index
        %swap3A_500 = arith.constant 32 : index
        %swap3A_501 = tpu.vector_load %swap3A_498[%swap3A_499, %swap3A_500] {strides = array<i32>} : memref<128x64xf32, #tpu.memory_space<vmem>>, vector<16xf32>,
        tpu.vector_store %swap3A_498[%swap3A_499, %swap3A_500], %mul3A_494 {strides = array<i32>} : memref<128x64xf32, #tpu.memory_space<vmem>>, vector<16xf32>,
        %mul3A_502 = arith.mulf %get3A_414, %mul3A_478 : vector<16xf32>
        %swap3A_503 = arith.constant 0 : i32
        %swap3A_504 = arith.constant 0 : i32
        %swap3A_505 = tpu.memref_slice %arg7[%scan3A_235, %swap3A_503, %swap3A_504] : memref<4x128x64xf32, #tpu.memory_space<vmem>> -> memref<1x128x64xf32, #tpu.memory_space<vmem>>
        %swap3A_506 = tpu.memref_squeeze %swap3A_505 : memref<1x128x64xf32, #tpu.memory_space<vmem>> -> memref<128x64xf32, #tpu.memory_space<vmem>>
        %swap3A_507 = arith.index_cast %scan3A_387 : i32 to index
        %swap3A_508 = arith.constant 48 : index
        %swap3A_509 = tpu.vector_load %swap3A_506[%swap3A_507, %swap3A_508] {strides = array<i32>} : memref<128x64xf32, #tpu.memory_space<vmem>>, vector<16xf32>,
        tpu.vector_store %swap3A_506[%swap3A_507, %swap3A_508], %mul3A_502 {strides = array<i32>} : memref<128x64xf32, #tpu.memory_space<vmem>>, vector<16xf32>,
      }
      %scan3A_240 = arith.constant 128 : i32
      %mul3A_241 = arith.constant 200 : i32
      %mul3A_242 = arith.muli %add3A, %mul3A_241 : i32
      %add3A_243 = arith.addi %mul3A_242, %add3A_213 : i32
      %mul3A_244 = arith.constant 128 : i32
      %mul3A_245 = arith.muli %add3A_243, %mul3A_244 : i32
      %dma_start3A_246 = arith.constant 1 : i32
      %dma_start3A_247 = arith.constant 1 : i32
      %dma_start3A_248 = arith.constant 0 : i32
      %dma_start3A_249 = arith.constant 0 : i32
      %dma_start3A_250 = tpu.memref_slice %arg7[%dma_start3A_246, %dma_start3A_248, %dma_start3A_249] : memref<4x128x64xf32, #tpu.memory_space<vmem>> -> memref<1x128x64xf32, #tpu.memory_space<vmem>>
      %dma_start3A_251 = tpu.memref_squeeze %dma_start3A_250 : memref<1x128x64xf32, #tpu.memory_space<vmem>> -> memref<128x64xf32, #tpu.memory_space<vmem>>
      %dma_start3A_252 = arith.constant 0 : i32
      %dma_start3A_253 = tpu.memref_slice %arg4[%mul3A_245, %dma_start3A_252] : memref<819200x64xf32, #tpu.memory_space<hbm>> -> memref<128x64xf32, #tpu.memory_space<hbm>>
      %dma_start3A_254 = tpu.memref_slice %arg9[%dma_start3A_247] : memref<4x!tpu.dma_semaphore, #tpu.memory_space<semaphore_mem>> -> memref<1x!tpu.dma_semaphore, #tpu.memory_space<semaphore_mem>>
      %dma_start3A_255 = tpu.memref_squeeze %dma_start3A_254 : memref<1x!tpu.dma_semaphore, #tpu.memory_space<semaphore_mem>> -> memref<!tpu.dma_semaphore, #tpu.memory_space<semaphore_mem>>
      %dma_start3A_256 = arith.constant 0 : i32
      %dma_start3A_257 = tpu.memref_slice %arg4[%mul3A_245, %dma_start3A_256] : memref<819200x64xf32, #tpu.memory_space<hbm>> -> memref<128x64xf32, #tpu.memory_space<hbm>>
      %dma_start3A_258 = arith.constant 0 : i32
      %dma_start3A_259 = arith.constant 0 : i32
      %dma_start3A_260 = tpu.memref_slice %arg7[%dma_start3A_246, %dma_start3A_258, %dma_start3A_259] : memref<4x128x64xf32, #tpu.memory_space<vmem>> -> memref<1x128x64xf32, #tpu.memory_space<vmem>>
      %dma_start3A_261 = tpu.memref_squeeze %dma_start3A_260 : memref<1x128x64xf32, #tpu.memory_space<vmem>> -> memref<128x64xf32, #tpu.memory_space<vmem>>
      tpu.enqueue_dma source(%dma_start3A_261 : memref<128x64xf32, #tpu.memory_space<vmem>>) target(%dma_start3A_257 : memref<128x64xf32, #tpu.memory_space<hbm>>) target_semaphore(%dma_start3A_255 : memref<!tpu.dma_semaphore, #tpu.memory_space<semaphore_mem>>)
      %add3A_262 = arith.constant 4 : i32
      %add3A_263 = arith.addi %add3A_213, %add3A_262 : i32
      %lt3A_264 = arith.constant 200 : i32
      %lt3A_265 = arith.cmpi slt, %add3A_263, %lt3A_264 : i32
      %convert_element_type3A_266 = arith.extui %lt3A_265 : i1 to i32
      %cond3A_267 = arith.constant 0 : i32
      %cond3A_268 = arith.cmpi ne, %convert_element_type3A_266, %cond3A_267 : i32
      scf.if %cond3A_268 {
        %add3A_387 = arith.constant 4 : i32
        %add3A_388 = arith.addi %add3A_213, %add3A_387 : i32
        %dma_start3A_389 = arith.constant 1 : i32
        %dma_start3A_390 = arith.constant 1 : i32
        %dma_start3A_391 = arith.constant 0 : i32
        %dma_start3A_392 = arith.constant 0 : i32
        %dma_start3A_393 = tpu.memref_slice %arg6[%dma_start3A_389, %dma_start3A_391, %dma_start3A_392] : memref<4x128x64xf32, #tpu.memory_space<vmem>> -> memref<1x128x64xf32, #tpu.memory_space<vmem>>
        %dma_start3A_394 = tpu.memref_squeeze %dma_start3A_393 : memref<1x128x64xf32, #tpu.memory_space<vmem>> -> memref<128x64xf32, #tpu.memory_space<vmem>>
        %dma_start3A_395 = arith.constant 0 : i32
        %dma_start3A_396 = tpu.memref_slice %arg5[%add3A_388, %dma_start3A_395] : memref<200x128xi32, #tpu.memory_space<vmem>> -> memref<1x128xi32, #tpu.memory_space<vmem>>
        %dma_start3A_397 = tpu.memref_squeeze %dma_start3A_396 : memref<1x128xi32, #tpu.memory_space<vmem>> -> memref<128xi32, #tpu.memory_space<vmem>>
        %dma_start3A_398 = arith.constant 0 : i32
        %dma_start3A_399 = arith.constant 0 : i32
        %dma_start3A_400 = tpu.memref_slice %arg3[%dma_start3A_398, %dma_start3A_399] : memref<1000000x64xf32, #tpu.memory_space<hbm>> -> memref<1000000x64xf32, #tpu.memory_space<hbm>>
        %dma_start3A_401 = tpu.memref_slice %arg8[%dma_start3A_390] : memref<4x!tpu.dma_semaphore, #tpu.memory_space<semaphore_mem>> -> memref<1x!tpu.dma_semaphore, #tpu.memory_space<semaphore_mem>>
        %dma_start3A_402 = tpu.memref_squeeze %dma_start3A_401 : memref<1x!tpu.dma_semaphore, #tpu.memory_space<semaphore_mem>> -> memref<!tpu.dma_semaphore, #tpu.memory_space<semaphore_mem>>
        tpu.enqueue_indirect_dma source(%dma_start3A_400 : memref<1000000x64xf32, #tpu.memory_space<hbm>>) target(%dma_start3A_394 : memref<128x64xf32, #tpu.memory_space<vmem>>) offsets(%dma_start3A_397 : memref<128xi32, #tpu.memory_space<vmem>>) semaphore(%dma_start3A_402 : memref<!tpu.dma_semaphore, #tpu.memory_space<semaphore_mem>>)
      } else {
      }
      %mul3A_269 = arith.constant 4 : i32
      %mul3A_270 = arith.muli %scan3A_154, %mul3A_269 : i32
      %add3A_271 = arith.constant 2 : i32
      %add3A_272 = arith.addi %mul3A_270, %add3A_271 : i32
      %ge3A_273 = arith.constant 4 : i32
      %ge3A_274 = arith.cmpi sge, %add3A_272, %ge3A_273 : i32
      %convert_element_type3A_275 = arith.extui %ge3A_274 : i1 to i32
      %cond3A_276 = arith.constant 0 : i32
      %cond3A_277 = arith.cmpi ne, %convert_element_type3A_275, %cond3A_276 : i32
      scf.if %cond3A_277 {
        %sub3A = arith.constant 4 : i32
        %sub3A_387 = arith.subi %add3A_272, %sub3A : i32
        %mul3A_388 = arith.constant 200 : i32
        %mul3A_389 = arith.muli %add3A, %mul3A_388 : i32
        %add3A_390 = arith.addi %mul3A_389, %sub3A_387 : i32
        %mul3A_391 = arith.constant 128 : i32
        %mul3A_392 = arith.muli %add3A_390, %mul3A_391 : i32
        %dma_wait3A_393 = arith.constant 2 : i32
        %dma_wait3A_394 = arith.constant 2 : i32
        %dma_wait3A_395 = arith.constant 0 : i32
        %dma_wait3A_396 = arith.constant 0 : i32
        %dma_wait3A_397 = tpu.memref_slice %arg7[%dma_wait3A_393, %dma_wait3A_395, %dma_wait3A_396] : memref<4x128x64xf32, #tpu.memory_space<vmem>> -> memref<1x128x64xf32, #tpu.memory_space<vmem>>
        %dma_wait3A_398 = tpu.memref_squeeze %dma_wait3A_397 : memref<1x128x64xf32, #tpu.memory_space<vmem>> -> memref<128x64xf32, #tpu.memory_space<vmem>>
        %dma_wait3A_399 = arith.constant 0 : i32
        %dma_wait3A_400 = tpu.memref_slice %arg4[%mul3A_392, %dma_wait3A_399] : memref<819200x64xf32, #tpu.memory_space<hbm>> -> memref<128x64xf32, #tpu.memory_space<hbm>>
        %dma_wait3A_401 = tpu.memref_slice %arg9[%dma_wait3A_394] : memref<4x!tpu.dma_semaphore, #tpu.memory_space<semaphore_mem>> -> memref<1x!tpu.dma_semaphore, #tpu.memory_space<semaphore_mem>>
        %dma_wait3A_402 = tpu.memref_squeeze %dma_wait3A_401 : memref<1x!tpu.dma_semaphore, #tpu.memory_space<semaphore_mem>> -> memref<!tpu.dma_semaphore, #tpu.memory_space<semaphore_mem>>
        %dma_wait3A_403 = arith.constant 0 : i32
        %dma_wait3A_404 = tpu.memref_slice %arg4[%mul3A_392, %dma_wait3A_403] : memref<819200x64xf32, #tpu.memory_space<hbm>> -> memref<128x64xf32, #tpu.memory_space<hbm>>
        %dma_wait3A_405 = arith.constant 0 : i32
        %dma_wait3A_406 = arith.constant 0 : i32
        %dma_wait3A_407 = tpu.memref_slice %arg7[%dma_wait3A_393, %dma_wait3A_405, %dma_wait3A_406] : memref<4x128x64xf32, #tpu.memory_space<vmem>> -> memref<1x128x64xf32, #tpu.memory_space<vmem>>
        %dma_wait3A_408 = tpu.memref_squeeze %dma_wait3A_407 : memref<1x128x64xf32, #tpu.memory_space<vmem>> -> memref<128x64xf32, #tpu.memory_space<vmem>>
        tpu.wait_dma2 semaphore(%dma_wait3A_402 : memref<!tpu.dma_semaphore, #tpu.memory_space<semaphore_mem>>) src(%dma_wait3A_408 : memref<128x64xf32, #tpu.memory_space<vmem>>) dst(%dma_wait3A_404 : memref<128x64xf32, #tpu.memory_space<hbm>>)
      } else {
      }
      %dma_wait3A_278 = arith.constant 2 : i32
      %dma_wait3A_279 = arith.constant 2 : i32
      %dma_wait3A_280 = arith.constant 0 : i32
      %dma_wait3A_281 = arith.constant 0 : i32
      %dma_wait3A_282 = tpu.memref_slice %arg6[%dma_wait3A_278, %dma_wait3A_280, %dma_wait3A_281] : memref<4x128x64xf32, #tpu.memory_space<vmem>> -> memref<1x128x64xf32, #tpu.memory_space<vmem>>
      %dma_wait3A_283 = tpu.memref_squeeze %dma_wait3A_282 : memref<1x128x64xf32, #tpu.memory_space<vmem>> -> memref<128x64xf32, #tpu.memory_space<vmem>>
      %dma_wait3A_284 = arith.constant 0 : i32
      %dma_wait3A_285 = tpu.memref_slice %arg5[%add3A_272, %dma_wait3A_284] : memref<200x128xi32, #tpu.memory_space<vmem>> -> memref<1x128xi32, #tpu.memory_space<vmem>>
      %dma_wait3A_286 = tpu.memref_squeeze %dma_wait3A_285 : memref<1x128xi32, #tpu.memory_space<vmem>> -> memref<128xi32, #tpu.memory_space<vmem>>
      %dma_wait3A_287 = arith.constant 0 : i32
      %dma_wait3A_288 = arith.constant 0 : i32
      %dma_wait3A_289 = tpu.memref_slice %arg3[%dma_wait3A_287, %dma_wait3A_288] : memref<1000000x64xf32, #tpu.memory_space<hbm>> -> memref<1000000x64xf32, #tpu.memory_space<hbm>>
      %dma_wait3A_290 = tpu.memref_slice %arg8[%dma_wait3A_279] : memref<4x!tpu.dma_semaphore, #tpu.memory_space<semaphore_mem>> -> memref<1x!tpu.dma_semaphore, #tpu.memory_space<semaphore_mem>>
      %dma_wait3A_291 = tpu.memref_squeeze %dma_wait3A_290 : memref<1x!tpu.dma_semaphore, #tpu.memory_space<semaphore_mem>> -> memref<!tpu.dma_semaphore, #tpu.memory_space<semaphore_mem>>
      tpu.wait_indirect_dma semaphore(%dma_wait3A_291 : memref<!tpu.dma_semaphore, #tpu.memory_space<semaphore_mem>>) src(%dma_wait3A_289 : memref<1000000x64xf32, #tpu.memory_space<hbm>>) dst(%dma_wait3A_283 : memref<128x64xf32, #tpu.memory_space<vmem>>)
      %scan3A_292 = arith.constant 0 : i32
      %scan3A_293 = arith.constant 2 : i32
      %scan3A_294 = arith.constant 2 : i32
      %scan3A_295 = arith.constant 0 : i32
      %scan3A_296 = arith.constant 128 : i32
      %scan3A_297 = arith.addi %scan3A_295, %scan3A_296 : i32
      %scan3A_298 = arith.constant 1 : i32
      scf.for %scan3A_387 = %scan3A_295 to %scan3A_297 step %scan3A_298  : i32 {
        %get3A = arith.constant 0 : i32
        %get3A_388 = arith.constant 0 : i32
        %get3A_389 = tpu.memref_slice %arg6[%scan3A_293, %get3A, %get3A_388] : memref<4x128x64xf32, #tpu.memory_space<vmem>> -> memref<1x128x64xf32, #tpu.memory_space<vmem>>
        %get3A_390 = tpu.memref_squeeze %get3A_389 : memref<1x128x64xf32, #tpu.memory_space<vmem>> -> memref<128x64xf32, #tpu.memory_space<vmem>>
        %get3A_391 = arith.index_cast %scan3A_387 : i32 to index
        %get3A_392 = arith.constant 0 : index
        %get3A_393 = tpu.vector_load %get3A_390[%get3A_391, %get3A_392] {strides = array<i32>} : memref<128x64xf32, #tpu.memory_space<vmem>>, vector<16xf32>,
        %get3A_394 = arith.constant 0 : i32
        %get3A_395 = arith.constant 0 : i32
        %get3A_396 = tpu.memref_slice %arg6[%scan3A_293, %get3A_394, %get3A_395] : memref<4x128x64xf32, #tpu.memory_space<vmem>> -> memref<1x128x64xf32, #tpu.memory_space<vmem>>
        %get3A_397 = tpu.memref_squeeze %get3A_396 : memref<1x128x64xf32, #tpu.memory_space<vmem>> -> memref<128x64xf32, #tpu.memory_space<vmem>>
        %get3A_398 = arith.index_cast %scan3A_387 : i32 to index
        %get3A_399 = arith.constant 16 : index
        %get3A_400 = tpu.vector_load %get3A_397[%get3A_398, %get3A_399] {strides = array<i32>} : memref<128x64xf32, #tpu.memory_space<vmem>>, vector<16xf32>,
        %get3A_401 = arith.constant 0 : i32
        %get3A_402 = arith.constant 0 : i32
        %get3A_403 = tpu.memref_slice %arg6[%scan3A_293, %get3A_401, %get3A_402] : memref<4x128x64xf32, #tpu.memory_space<vmem>> -> memref<1x128x64xf32, #tpu.memory_space<vmem>>
        %get3A_404 = tpu.memref_squeeze %get3A_403 : memref<1x128x64xf32, #tpu.memory_space<vmem>> -> memref<128x64xf32, #tpu.memory_space<vmem>>
        %get3A_405 = arith.index_cast %scan3A_387 : i32 to index
        %get3A_406 = arith.constant 32 : index
        %get3A_407 = tpu.vector_load %get3A_404[%get3A_405, %get3A_406] {strides = array<i32>} : memref<128x64xf32, #tpu.memory_space<vmem>>, vector<16xf32>,
        %get3A_408 = arith.constant 0 : i32
        %get3A_409 = arith.constant 0 : i32
        %get3A_410 = tpu.memref_slice %arg6[%scan3A_293, %get3A_408, %get3A_409] : memref<4x128x64xf32, #tpu.memory_space<vmem>> -> memref<1x128x64xf32, #tpu.memory_space<vmem>>
        %get3A_411 = tpu.memref_squeeze %get3A_410 : memref<1x128x64xf32, #tpu.memory_space<vmem>> -> memref<128x64xf32, #tpu.memory_space<vmem>>
        %get3A_412 = arith.index_cast %scan3A_387 : i32 to index
        %get3A_413 = arith.constant 48 : index
        %get3A_414 = tpu.vector_load %get3A_411[%get3A_412, %get3A_413] {strides = array<i32>} : memref<128x64xf32, #tpu.memory_space<vmem>>, vector<16xf32>,
        %mul3A_415 = arith.mulf %get3A_393, %get3A_393 : vector<16xf32>
        %mul3A_416 = arith.mulf %get3A_400, %get3A_400 : vector<16xf32>
        %add3A_417 = arith.addf %mul3A_415, %mul3A_416 : vector<16xf32>
        %mul3A_418 = arith.mulf %get3A_407, %get3A_407 : vector<16xf32>
        %add3A_419 = arith.addf %add3A_417, %mul3A_418 : vector<16xf32>
        %mul3A_420 = arith.mulf %get3A_414, %get3A_414 : vector<16xf32>
        %add3A_421 = arith.addf %add3A_419, %mul3A_420 : vector<16xf32>
        %iota3A = tpu.iota {dimensions = array<i32: 0>} : vector<16xi32>
        %xor3A = arith.constant 8 : i32
        %xor3A_422 = vector.broadcast %xor3A : i32 to vector<16xi32>
        %xor3A_423 = arith.xori %iota3A, %xor3A_422 : vector<16xi32>
        %broadcast_in_dim3A = vector.shape_cast %xor3A_423 : vector<16xi32> to vector<16x1xi32>
        %gather3A = vector.shape_cast %broadcast_in_dim3A : vector<16x1xi32> to vector<16xi32>
        %gather3A_424 = tpu.dynamic_gather %add3A_421[%gather3A] in [0] : vector<16xf32>, vector<16xi32> -> vector<16xf32>
        %add3A_425 = arith.addf %add3A_421, %gather3A_424 : vector<16xf32>
        %xor3A_426 = arith.constant 4 : i32
        %xor3A_427 = vector.broadcast %xor3A_426 : i32 to vector<16xi32>
        %xor3A_428 = arith.xori %iota3A, %xor3A_427 : vector<16xi32>
        %broadcast_in_dim3A_429 = vector.shape_cast %xor3A_428 : vector<16xi32> to vector<16x1xi32>
        %gather3A_430 = vector.shape_cast %broadcast_in_dim3A_429 : vector<16x1xi32> to vector<16xi32>
        %gather3A_431 = tpu.dynamic_gather %add3A_425[%gather3A_430] in [0] : vector<16xf32>, vector<16xi32> -> vector<16xf32>
        %add3A_432 = arith.addf %add3A_425, %gather3A_431 : vector<16xf32>
        %xor3A_433 = arith.constant 2 : i32
        %xor3A_434 = vector.broadcast %xor3A_433 : i32 to vector<16xi32>
        %xor3A_435 = arith.xori %iota3A, %xor3A_434 : vector<16xi32>
        %broadcast_in_dim3A_436 = vector.shape_cast %xor3A_435 : vector<16xi32> to vector<16x1xi32>
        %gather3A_437 = vector.shape_cast %broadcast_in_dim3A_436 : vector<16x1xi32> to vector<16xi32>
        %gather3A_438 = tpu.dynamic_gather %add3A_432[%gather3A_437] in [0] : vector<16xf32>, vector<16xi32> -> vector<16xf32>
        %add3A_439 = arith.addf %add3A_432, %gather3A_438 : vector<16xf32>
        %xor3A_440 = arith.constant 1 : i32
        %xor3A_441 = vector.broadcast %xor3A_440 : i32 to vector<16xi32>
        %xor3A_442 = arith.xori %iota3A, %xor3A_441 : vector<16xi32>
        %broadcast_in_dim3A_443 = vector.shape_cast %xor3A_442 : vector<16xi32> to vector<16x1xi32>
        %gather3A_444 = vector.shape_cast %broadcast_in_dim3A_443 : vector<16x1xi32> to vector<16xi32>
        %gather3A_445 = tpu.dynamic_gather %add3A_439[%gather3A_444] in [0] : vector<16xf32>, vector<16xi32> -> vector<16xf32>
        %add3A_446 = arith.addf %add3A_439, %gather3A_445 : vector<16xf32>
        %bitcast3A = vector.bitcast %add3A_446 : vector<16xf32> to vector<16xi32>
        %shift_right_logical3A = arith.constant 1 : i32
        %shift_right_logical3A_447 = vector.broadcast %shift_right_logical3A : i32 to vector<16xi32>
        %shift_right_logical3A_448 = arith.shrui %bitcast3A, %shift_right_logical3A_447 : vector<16xi32>
        %sub3A = arith.constant 1597463007 : i32
        %sub3A_449 = vector.broadcast %sub3A : i32 to vector<16xi32>
        %sub3A_450 = arith.subi %sub3A_449, %shift_right_logical3A_448 : vector<16xi32>
        %bitcast3A_451 = vector.bitcast %sub3A_450 : vector<16xi32> to vector<16xf32>
        %mul3A_452 = arith.constant 5.000000e-01 : f32
        %mul3A_453 = vector.broadcast %mul3A_452 : f32 to vector<16xf32>
        %mul3A_454 = arith.mulf %mul3A_453, %add3A_446 : vector<16xf32>
        %mul3A_455 = arith.mulf %mul3A_454, %bitcast3A_451 : vector<16xf32>
        %mul3A_456 = arith.mulf %mul3A_455, %bitcast3A_451 : vector<16xf32>
        %sub3A_457 = arith.constant 1.500000e+00 : f32
        %sub3A_458 = vector.broadcast %sub3A_457 : f32 to vector<16xf32>
        %sub3A_459 = arith.subf %sub3A_458, %mul3A_456 : vector<16xf32>
        %mul3A_460 = arith.mulf %bitcast3A_451, %sub3A_459 : vector<16xf32>
        %mul3A_461 = arith.constant 5.000000e-01 : f32
        %mul3A_462 = vector.broadcast %mul3A_461 : f32 to vector<16xf32>
        %mul3A_463 = arith.mulf %mul3A_462, %add3A_446 : vector<16xf32>
        %mul3A_464 = arith.mulf %mul3A_463, %mul3A_460 : vector<16xf32>
        %mul3A_465 = arith.mulf %mul3A_464, %mul3A_460 : vector<16xf32>
        %sub3A_466 = arith.constant 1.500000e+00 : f32
        %sub3A_467 = vector.broadcast %sub3A_466 : f32 to vector<16xf32>
        %sub3A_468 = arith.subf %sub3A_467, %mul3A_465 : vector<16xf32>
        %mul3A_469 = arith.mulf %mul3A_460, %sub3A_468 : vector<16xf32>
        %mul3A_470 = arith.constant 5.000000e-01 : f32
        %mul3A_471 = vector.broadcast %mul3A_470 : f32 to vector<16xf32>
        %mul3A_472 = arith.mulf %mul3A_471, %add3A_446 : vector<16xf32>
        %mul3A_473 = arith.mulf %mul3A_472, %mul3A_469 : vector<16xf32>
        %mul3A_474 = arith.mulf %mul3A_473, %mul3A_469 : vector<16xf32>
        %sub3A_475 = arith.constant 1.500000e+00 : f32
        %sub3A_476 = vector.broadcast %sub3A_475 : f32 to vector<16xf32>
        %sub3A_477 = arith.subf %sub3A_476, %mul3A_474 : vector<16xf32>
        %mul3A_478 = arith.mulf %mul3A_469, %sub3A_477 : vector<16xf32>
        %mul3A_479 = arith.mulf %get3A_393, %mul3A_478 : vector<16xf32>
        %swap3A = arith.constant 0 : i32
        %swap3A_480 = arith.constant 0 : i32
        %swap3A_481 = tpu.memref_slice %arg7[%scan3A_294, %swap3A, %swap3A_480] : memref<4x128x64xf32, #tpu.memory_space<vmem>> -> memref<1x128x64xf32, #tpu.memory_space<vmem>>
        %swap3A_482 = tpu.memref_squeeze %swap3A_481 : memref<1x128x64xf32, #tpu.memory_space<vmem>> -> memref<128x64xf32, #tpu.memory_space<vmem>>
        %swap3A_483 = arith.index_cast %scan3A_387 : i32 to index
        %swap3A_484 = arith.constant 0 : index
        %swap3A_485 = tpu.vector_load %swap3A_482[%swap3A_483, %swap3A_484] {strides = array<i32>} : memref<128x64xf32, #tpu.memory_space<vmem>>, vector<16xf32>,
        tpu.vector_store %swap3A_482[%swap3A_483, %swap3A_484], %mul3A_479 {strides = array<i32>} : memref<128x64xf32, #tpu.memory_space<vmem>>, vector<16xf32>,
        %mul3A_486 = arith.mulf %get3A_400, %mul3A_478 : vector<16xf32>
        %swap3A_487 = arith.constant 0 : i32
        %swap3A_488 = arith.constant 0 : i32
        %swap3A_489 = tpu.memref_slice %arg7[%scan3A_294, %swap3A_487, %swap3A_488] : memref<4x128x64xf32, #tpu.memory_space<vmem>> -> memref<1x128x64xf32, #tpu.memory_space<vmem>>
        %swap3A_490 = tpu.memref_squeeze %swap3A_489 : memref<1x128x64xf32, #tpu.memory_space<vmem>> -> memref<128x64xf32, #tpu.memory_space<vmem>>
        %swap3A_491 = arith.index_cast %scan3A_387 : i32 to index
        %swap3A_492 = arith.constant 16 : index
        %swap3A_493 = tpu.vector_load %swap3A_490[%swap3A_491, %swap3A_492] {strides = array<i32>} : memref<128x64xf32, #tpu.memory_space<vmem>>, vector<16xf32>,
        tpu.vector_store %swap3A_490[%swap3A_491, %swap3A_492], %mul3A_486 {strides = array<i32>} : memref<128x64xf32, #tpu.memory_space<vmem>>, vector<16xf32>,
        %mul3A_494 = arith.mulf %get3A_407, %mul3A_478 : vector<16xf32>
        %swap3A_495 = arith.constant 0 : i32
        %swap3A_496 = arith.constant 0 : i32
        %swap3A_497 = tpu.memref_slice %arg7[%scan3A_294, %swap3A_495, %swap3A_496] : memref<4x128x64xf32, #tpu.memory_space<vmem>> -> memref<1x128x64xf32, #tpu.memory_space<vmem>>
        %swap3A_498 = tpu.memref_squeeze %swap3A_497 : memref<1x128x64xf32, #tpu.memory_space<vmem>> -> memref<128x64xf32, #tpu.memory_space<vmem>>
        %swap3A_499 = arith.index_cast %scan3A_387 : i32 to index
        %swap3A_500 = arith.constant 32 : index
        %swap3A_501 = tpu.vector_load %swap3A_498[%swap3A_499, %swap3A_500] {strides = array<i32>} : memref<128x64xf32, #tpu.memory_space<vmem>>, vector<16xf32>,
        tpu.vector_store %swap3A_498[%swap3A_499, %swap3A_500], %mul3A_494 {strides = array<i32>} : memref<128x64xf32, #tpu.memory_space<vmem>>, vector<16xf32>,
        %mul3A_502 = arith.mulf %get3A_414, %mul3A_478 : vector<16xf32>
        %swap3A_503 = arith.constant 0 : i32
        %swap3A_504 = arith.constant 0 : i32
        %swap3A_505 = tpu.memref_slice %arg7[%scan3A_294, %swap3A_503, %swap3A_504] : memref<4x128x64xf32, #tpu.memory_space<vmem>> -> memref<1x128x64xf32, #tpu.memory_space<vmem>>
        %swap3A_506 = tpu.memref_squeeze %swap3A_505 : memref<1x128x64xf32, #tpu.memory_space<vmem>> -> memref<128x64xf32, #tpu.memory_space<vmem>>
        %swap3A_507 = arith.index_cast %scan3A_387 : i32 to index
        %swap3A_508 = arith.constant 48 : index
        %swap3A_509 = tpu.vector_load %swap3A_506[%swap3A_507, %swap3A_508] {strides = array<i32>} : memref<128x64xf32, #tpu.memory_space<vmem>>, vector<16xf32>,
        tpu.vector_store %swap3A_506[%swap3A_507, %swap3A_508], %mul3A_502 {strides = array<i32>} : memref<128x64xf32, #tpu.memory_space<vmem>>, vector<16xf32>,
      }
      %scan3A_299 = arith.constant 128 : i32
      %mul3A_300 = arith.constant 200 : i32
      %mul3A_301 = arith.muli %add3A, %mul3A_300 : i32
      %add3A_302 = arith.addi %mul3A_301, %add3A_272 : i32
      %mul3A_303 = arith.constant 128 : i32
      %mul3A_304 = arith.muli %add3A_302, %mul3A_303 : i32
      %dma_start3A_305 = arith.constant 2 : i32
      %dma_start3A_306 = arith.constant 2 : i32
      %dma_start3A_307 = arith.constant 0 : i32
      %dma_start3A_308 = arith.constant 0 : i32
      %dma_start3A_309 = tpu.memref_slice %arg7[%dma_start3A_305, %dma_start3A_307, %dma_start3A_308] : memref<4x128x64xf32, #tpu.memory_space<vmem>> -> memref<1x128x64xf32, #tpu.memory_space<vmem>>
      %dma_start3A_310 = tpu.memref_squeeze %dma_start3A_309 : memref<1x128x64xf32, #tpu.memory_space<vmem>> -> memref<128x64xf32, #tpu.memory_space<vmem>>
      %dma_start3A_311 = arith.constant 0 : i32
      %dma_start3A_312 = tpu.memref_slice %arg4[%mul3A_304, %dma_start3A_311] : memref<819200x64xf32, #tpu.memory_space<hbm>> -> memref<128x64xf32, #tpu.memory_space<hbm>>
      %dma_start3A_313 = tpu.memref_slice %arg9[%dma_start3A_306] : memref<4x!tpu.dma_semaphore, #tpu.memory_space<semaphore_mem>> -> memref<1x!tpu.dma_semaphore, #tpu.memory_space<semaphore_mem>>
      %dma_start3A_314 = tpu.memref_squeeze %dma_start3A_313 : memref<1x!tpu.dma_semaphore, #tpu.memory_space<semaphore_mem>> -> memref<!tpu.dma_semaphore, #tpu.memory_space<semaphore_mem>>
      %dma_start3A_315 = arith.constant 0 : i32
      %dma_start3A_316 = tpu.memref_slice %arg4[%mul3A_304, %dma_start3A_315] : memref<819200x64xf32, #tpu.memory_space<hbm>> -> memref<128x64xf32, #tpu.memory_space<hbm>>
      %dma_start3A_317 = arith.constant 0 : i32
      %dma_start3A_318 = arith.constant 0 : i32
      %dma_start3A_319 = tpu.memref_slice %arg7[%dma_start3A_305, %dma_start3A_317, %dma_start3A_318] : memref<4x128x64xf32, #tpu.memory_space<vmem>> -> memref<1x128x64xf32, #tpu.memory_space<vmem>>
      %dma_start3A_320 = tpu.memref_squeeze %dma_start3A_319 : memref<1x128x64xf32, #tpu.memory_space<vmem>> -> memref<128x64xf32, #tpu.memory_space<vmem>>
      tpu.enqueue_dma source(%dma_start3A_320 : memref<128x64xf32, #tpu.memory_space<vmem>>) target(%dma_start3A_316 : memref<128x64xf32, #tpu.memory_space<hbm>>) target_semaphore(%dma_start3A_314 : memref<!tpu.dma_semaphore, #tpu.memory_space<semaphore_mem>>)
      %add3A_321 = arith.constant 4 : i32
      %add3A_322 = arith.addi %add3A_272, %add3A_321 : i32
      %lt3A_323 = arith.constant 200 : i32
      %lt3A_324 = arith.cmpi slt, %add3A_322, %lt3A_323 : i32
      %convert_element_type3A_325 = arith.extui %lt3A_324 : i1 to i32
      %cond3A_326 = arith.constant 0 : i32
      %cond3A_327 = arith.cmpi ne, %convert_element_type3A_325, %cond3A_326 : i32
      scf.if %cond3A_327 {
        %add3A_387 = arith.constant 4 : i32
        %add3A_388 = arith.addi %add3A_272, %add3A_387 : i32
        %dma_start3A_389 = arith.constant 2 : i32
        %dma_start3A_390 = arith.constant 2 : i32
        %dma_start3A_391 = arith.constant 0 : i32
        %dma_start3A_392 = arith.constant 0 : i32
        %dma_start3A_393 = tpu.memref_slice %arg6[%dma_start3A_389, %dma_start3A_391, %dma_start3A_392] : memref<4x128x64xf32, #tpu.memory_space<vmem>> -> memref<1x128x64xf32, #tpu.memory_space<vmem>>
        %dma_start3A_394 = tpu.memref_squeeze %dma_start3A_393 : memref<1x128x64xf32, #tpu.memory_space<vmem>> -> memref<128x64xf32, #tpu.memory_space<vmem>>
        %dma_start3A_395 = arith.constant 0 : i32
        %dma_start3A_396 = tpu.memref_slice %arg5[%add3A_388, %dma_start3A_395] : memref<200x128xi32, #tpu.memory_space<vmem>> -> memref<1x128xi32, #tpu.memory_space<vmem>>
        %dma_start3A_397 = tpu.memref_squeeze %dma_start3A_396 : memref<1x128xi32, #tpu.memory_space<vmem>> -> memref<128xi32, #tpu.memory_space<vmem>>
        %dma_start3A_398 = arith.constant 0 : i32
        %dma_start3A_399 = arith.constant 0 : i32
        %dma_start3A_400 = tpu.memref_slice %arg3[%dma_start3A_398, %dma_start3A_399] : memref<1000000x64xf32, #tpu.memory_space<hbm>> -> memref<1000000x64xf32, #tpu.memory_space<hbm>>
        %dma_start3A_401 = tpu.memref_slice %arg8[%dma_start3A_390] : memref<4x!tpu.dma_semaphore, #tpu.memory_space<semaphore_mem>> -> memref<1x!tpu.dma_semaphore, #tpu.memory_space<semaphore_mem>>
        %dma_start3A_402 = tpu.memref_squeeze %dma_start3A_401 : memref<1x!tpu.dma_semaphore, #tpu.memory_space<semaphore_mem>> -> memref<!tpu.dma_semaphore, #tpu.memory_space<semaphore_mem>>
        tpu.enqueue_indirect_dma source(%dma_start3A_400 : memref<1000000x64xf32, #tpu.memory_space<hbm>>) target(%dma_start3A_394 : memref<128x64xf32, #tpu.memory_space<vmem>>) offsets(%dma_start3A_397 : memref<128xi32, #tpu.memory_space<vmem>>) semaphore(%dma_start3A_402 : memref<!tpu.dma_semaphore, #tpu.memory_space<semaphore_mem>>)
      } else {
      }
      %mul3A_328 = arith.constant 4 : i32
      %mul3A_329 = arith.muli %scan3A_154, %mul3A_328 : i32
      %add3A_330 = arith.constant 3 : i32
      %add3A_331 = arith.addi %mul3A_329, %add3A_330 : i32
      %ge3A_332 = arith.constant 4 : i32
      %ge3A_333 = arith.cmpi sge, %add3A_331, %ge3A_332 : i32
      %convert_element_type3A_334 = arith.extui %ge3A_333 : i1 to i32
      %cond3A_335 = arith.constant 0 : i32
      %cond3A_336 = arith.cmpi ne, %convert_element_type3A_334, %cond3A_335 : i32
      scf.if %cond3A_336 {
        %sub3A = arith.constant 4 : i32
        %sub3A_387 = arith.subi %add3A_331, %sub3A : i32
        %mul3A_388 = arith.constant 200 : i32
        %mul3A_389 = arith.muli %add3A, %mul3A_388 : i32
        %add3A_390 = arith.addi %mul3A_389, %sub3A_387 : i32
        %mul3A_391 = arith.constant 128 : i32
        %mul3A_392 = arith.muli %add3A_390, %mul3A_391 : i32
        %dma_wait3A_393 = arith.constant 3 : i32
        %dma_wait3A_394 = arith.constant 3 : i32
        %dma_wait3A_395 = arith.constant 0 : i32
        %dma_wait3A_396 = arith.constant 0 : i32
        %dma_wait3A_397 = tpu.memref_slice %arg7[%dma_wait3A_393, %dma_wait3A_395, %dma_wait3A_396] : memref<4x128x64xf32, #tpu.memory_space<vmem>> -> memref<1x128x64xf32, #tpu.memory_space<vmem>>
        %dma_wait3A_398 = tpu.memref_squeeze %dma_wait3A_397 : memref<1x128x64xf32, #tpu.memory_space<vmem>> -> memref<128x64xf32, #tpu.memory_space<vmem>>
        %dma_wait3A_399 = arith.constant 0 : i32
        %dma_wait3A_400 = tpu.memref_slice %arg4[%mul3A_392, %dma_wait3A_399] : memref<819200x64xf32, #tpu.memory_space<hbm>> -> memref<128x64xf32, #tpu.memory_space<hbm>>
        %dma_wait3A_401 = tpu.memref_slice %arg9[%dma_wait3A_394] : memref<4x!tpu.dma_semaphore, #tpu.memory_space<semaphore_mem>> -> memref<1x!tpu.dma_semaphore, #tpu.memory_space<semaphore_mem>>
        %dma_wait3A_402 = tpu.memref_squeeze %dma_wait3A_401 : memref<1x!tpu.dma_semaphore, #tpu.memory_space<semaphore_mem>> -> memref<!tpu.dma_semaphore, #tpu.memory_space<semaphore_mem>>
        %dma_wait3A_403 = arith.constant 0 : i32
        %dma_wait3A_404 = tpu.memref_slice %arg4[%mul3A_392, %dma_wait3A_403] : memref<819200x64xf32, #tpu.memory_space<hbm>> -> memref<128x64xf32, #tpu.memory_space<hbm>>
        %dma_wait3A_405 = arith.constant 0 : i32
        %dma_wait3A_406 = arith.constant 0 : i32
        %dma_wait3A_407 = tpu.memref_slice %arg7[%dma_wait3A_393, %dma_wait3A_405, %dma_wait3A_406] : memref<4x128x64xf32, #tpu.memory_space<vmem>> -> memref<1x128x64xf32, #tpu.memory_space<vmem>>
        %dma_wait3A_408 = tpu.memref_squeeze %dma_wait3A_407 : memref<1x128x64xf32, #tpu.memory_space<vmem>> -> memref<128x64xf32, #tpu.memory_space<vmem>>
        tpu.wait_dma2 semaphore(%dma_wait3A_402 : memref<!tpu.dma_semaphore, #tpu.memory_space<semaphore_mem>>) src(%dma_wait3A_408 : memref<128x64xf32, #tpu.memory_space<vmem>>) dst(%dma_wait3A_404 : memref<128x64xf32, #tpu.memory_space<hbm>>)
      } else {
      }
      %dma_wait3A_337 = arith.constant 3 : i32
      %dma_wait3A_338 = arith.constant 3 : i32
      %dma_wait3A_339 = arith.constant 0 : i32
      %dma_wait3A_340 = arith.constant 0 : i32
      %dma_wait3A_341 = tpu.memref_slice %arg6[%dma_wait3A_337, %dma_wait3A_339, %dma_wait3A_340] : memref<4x128x64xf32, #tpu.memory_space<vmem>> -> memref<1x128x64xf32, #tpu.memory_space<vmem>>
      %dma_wait3A_342 = tpu.memref_squeeze %dma_wait3A_341 : memref<1x128x64xf32, #tpu.memory_space<vmem>> -> memref<128x64xf32, #tpu.memory_space<vmem>>
      %dma_wait3A_343 = arith.constant 0 : i32
      %dma_wait3A_344 = tpu.memref_slice %arg5[%add3A_331, %dma_wait3A_343] : memref<200x128xi32, #tpu.memory_space<vmem>> -> memref<1x128xi32, #tpu.memory_space<vmem>>
      %dma_wait3A_345 = tpu.memref_squeeze %dma_wait3A_344 : memref<1x128xi32, #tpu.memory_space<vmem>> -> memref<128xi32, #tpu.memory_space<vmem>>
      %dma_wait3A_346 = arith.constant 0 : i32
      %dma_wait3A_347 = arith.constant 0 : i32
      %dma_wait3A_348 = tpu.memref_slice %arg3[%dma_wait3A_346, %dma_wait3A_347] : memref<1000000x64xf32, #tpu.memory_space<hbm>> -> memref<1000000x64xf32, #tpu.memory_space<hbm>>
      %dma_wait3A_349 = tpu.memref_slice %arg8[%dma_wait3A_338] : memref<4x!tpu.dma_semaphore, #tpu.memory_space<semaphore_mem>> -> memref<1x!tpu.dma_semaphore, #tpu.memory_space<semaphore_mem>>
      %dma_wait3A_350 = tpu.memref_squeeze %dma_wait3A_349 : memref<1x!tpu.dma_semaphore, #tpu.memory_space<semaphore_mem>> -> memref<!tpu.dma_semaphore, #tpu.memory_space<semaphore_mem>>
      tpu.wait_indirect_dma semaphore(%dma_wait3A_350 : memref<!tpu.dma_semaphore, #tpu.memory_space<semaphore_mem>>) src(%dma_wait3A_348 : memref<1000000x64xf32, #tpu.memory_space<hbm>>) dst(%dma_wait3A_342 : memref<128x64xf32, #tpu.memory_space<vmem>>)
      %scan3A_351 = arith.constant 0 : i32
      %scan3A_352 = arith.constant 3 : i32
      %scan3A_353 = arith.constant 3 : i32
      %scan3A_354 = arith.constant 0 : i32
      %scan3A_355 = arith.constant 128 : i32
      %scan3A_356 = arith.addi %scan3A_354, %scan3A_355 : i32
      %scan3A_357 = arith.constant 1 : i32
      scf.for %scan3A_387 = %scan3A_354 to %scan3A_356 step %scan3A_357  : i32 {
        %get3A = arith.constant 0 : i32
        %get3A_388 = arith.constant 0 : i32
        %get3A_389 = tpu.memref_slice %arg6[%scan3A_352, %get3A, %get3A_388] : memref<4x128x64xf32, #tpu.memory_space<vmem>> -> memref<1x128x64xf32, #tpu.memory_space<vmem>>
        %get3A_390 = tpu.memref_squeeze %get3A_389 : memref<1x128x64xf32, #tpu.memory_space<vmem>> -> memref<128x64xf32, #tpu.memory_space<vmem>>
        %get3A_391 = arith.index_cast %scan3A_387 : i32 to index
        %get3A_392 = arith.constant 0 : index
        %get3A_393 = tpu.vector_load %get3A_390[%get3A_391, %get3A_392] {strides = array<i32>} : memref<128x64xf32, #tpu.memory_space<vmem>>, vector<16xf32>,
        %get3A_394 = arith.constant 0 : i32
        %get3A_395 = arith.constant 0 : i32
        %get3A_396 = tpu.memref_slice %arg6[%scan3A_352, %get3A_394, %get3A_395] : memref<4x128x64xf32, #tpu.memory_space<vmem>> -> memref<1x128x64xf32, #tpu.memory_space<vmem>>
        %get3A_397 = tpu.memref_squeeze %get3A_396 : memref<1x128x64xf32, #tpu.memory_space<vmem>> -> memref<128x64xf32, #tpu.memory_space<vmem>>
        %get3A_398 = arith.index_cast %scan3A_387 : i32 to index
        %get3A_399 = arith.constant 16 : index
        %get3A_400 = tpu.vector_load %get3A_397[%get3A_398, %get3A_399] {strides = array<i32>} : memref<128x64xf32, #tpu.memory_space<vmem>>, vector<16xf32>,
        %get3A_401 = arith.constant 0 : i32
        %get3A_402 = arith.constant 0 : i32
        %get3A_403 = tpu.memref_slice %arg6[%scan3A_352, %get3A_401, %get3A_402] : memref<4x128x64xf32, #tpu.memory_space<vmem>> -> memref<1x128x64xf32, #tpu.memory_space<vmem>>
        %get3A_404 = tpu.memref_squeeze %get3A_403 : memref<1x128x64xf32, #tpu.memory_space<vmem>> -> memref<128x64xf32, #tpu.memory_space<vmem>>
        %get3A_405 = arith.index_cast %scan3A_387 : i32 to index
        %get3A_406 = arith.constant 32 : index
        %get3A_407 = tpu.vector_load %get3A_404[%get3A_405, %get3A_406] {strides = array<i32>} : memref<128x64xf32, #tpu.memory_space<vmem>>, vector<16xf32>,
        %get3A_408 = arith.constant 0 : i32
        %get3A_409 = arith.constant 0 : i32
        %get3A_410 = tpu.memref_slice %arg6[%scan3A_352, %get3A_408, %get3A_409] : memref<4x128x64xf32, #tpu.memory_space<vmem>> -> memref<1x128x64xf32, #tpu.memory_space<vmem>>
        %get3A_411 = tpu.memref_squeeze %get3A_410 : memref<1x128x64xf32, #tpu.memory_space<vmem>> -> memref<128x64xf32, #tpu.memory_space<vmem>>
        %get3A_412 = arith.index_cast %scan3A_387 : i32 to index
        %get3A_413 = arith.constant 48 : index
        %get3A_414 = tpu.vector_load %get3A_411[%get3A_412, %get3A_413] {strides = array<i32>} : memref<128x64xf32, #tpu.memory_space<vmem>>, vector<16xf32>,
        %mul3A_415 = arith.mulf %get3A_393, %get3A_393 : vector<16xf32>
        %mul3A_416 = arith.mulf %get3A_400, %get3A_400 : vector<16xf32>
        %add3A_417 = arith.addf %mul3A_415, %mul3A_416 : vector<16xf32>
        %mul3A_418 = arith.mulf %get3A_407, %get3A_407 : vector<16xf32>
        %add3A_419 = arith.addf %add3A_417, %mul3A_418 : vector<16xf32>
        %mul3A_420 = arith.mulf %get3A_414, %get3A_414 : vector<16xf32>
        %add3A_421 = arith.addf %add3A_419, %mul3A_420 : vector<16xf32>
        %iota3A = tpu.iota {dimensions = array<i32: 0>} : vector<16xi32>
        %xor3A = arith.constant 8 : i32
        %xor3A_422 = vector.broadcast %xor3A : i32 to vector<16xi32>
        %xor3A_423 = arith.xori %iota3A, %xor3A_422 : vector<16xi32>
        %broadcast_in_dim3A = vector.shape_cast %xor3A_423 : vector<16xi32> to vector<16x1xi32>
        %gather3A = vector.shape_cast %broadcast_in_dim3A : vector<16x1xi32> to vector<16xi32>
        %gather3A_424 = tpu.dynamic_gather %add3A_421[%gather3A] in [0] : vector<16xf32>, vector<16xi32> -> vector<16xf32>
        %add3A_425 = arith.addf %add3A_421, %gather3A_424 : vector<16xf32>
        %xor3A_426 = arith.constant 4 : i32
        %xor3A_427 = vector.broadcast %xor3A_426 : i32 to vector<16xi32>
        %xor3A_428 = arith.xori %iota3A, %xor3A_427 : vector<16xi32>
        %broadcast_in_dim3A_429 = vector.shape_cast %xor3A_428 : vector<16xi32> to vector<16x1xi32>
        %gather3A_430 = vector.shape_cast %broadcast_in_dim3A_429 : vector<16x1xi32> to vector<16xi32>
        %gather3A_431 = tpu.dynamic_gather %add3A_425[%gather3A_430] in [0] : vector<16xf32>, vector<16xi32> -> vector<16xf32>
        %add3A_432 = arith.addf %add3A_425, %gather3A_431 : vector<16xf32>
        %xor3A_433 = arith.constant 2 : i32
        %xor3A_434 = vector.broadcast %xor3A_433 : i32 to vector<16xi32>
        %xor3A_435 = arith.xori %iota3A, %xor3A_434 : vector<16xi32>
        %broadcast_in_dim3A_436 = vector.shape_cast %xor3A_435 : vector<16xi32> to vector<16x1xi32>
        %gather3A_437 = vector.shape_cast %broadcast_in_dim3A_436 : vector<16x1xi32> to vector<16xi32>
        %gather3A_438 = tpu.dynamic_gather %add3A_432[%gather3A_437] in [0] : vector<16xf32>, vector<16xi32> -> vector<16xf32>
        %add3A_439 = arith.addf %add3A_432, %gather3A_438 : vector<16xf32>
        %xor3A_440 = arith.constant 1 : i32
        %xor3A_441 = vector.broadcast %xor3A_440 : i32 to vector<16xi32>
        %xor3A_442 = arith.xori %iota3A, %xor3A_441 : vector<16xi32>
        %broadcast_in_dim3A_443 = vector.shape_cast %xor3A_442 : vector<16xi32> to vector<16x1xi32>
        %gather3A_444 = vector.shape_cast %broadcast_in_dim3A_443 : vector<16x1xi32> to vector<16xi32>
        %gather3A_445 = tpu.dynamic_gather %add3A_439[%gather3A_444] in [0] : vector<16xf32>, vector<16xi32> -> vector<16xf32>
        %add3A_446 = arith.addf %add3A_439, %gather3A_445 : vector<16xf32>
        %bitcast3A = vector.bitcast %add3A_446 : vector<16xf32> to vector<16xi32>
        %shift_right_logical3A = arith.constant 1 : i32
        %shift_right_logical3A_447 = vector.broadcast %shift_right_logical3A : i32 to vector<16xi32>
        %shift_right_logical3A_448 = arith.shrui %bitcast3A, %shift_right_logical3A_447 : vector<16xi32>
        %sub3A = arith.constant 1597463007 : i32
        %sub3A_449 = vector.broadcast %sub3A : i32 to vector<16xi32>
        %sub3A_450 = arith.subi %sub3A_449, %shift_right_logical3A_448 : vector<16xi32>
        %bitcast3A_451 = vector.bitcast %sub3A_450 : vector<16xi32> to vector<16xf32>
        %mul3A_452 = arith.constant 5.000000e-01 : f32
        %mul3A_453 = vector.broadcast %mul3A_452 : f32 to vector<16xf32>
        %mul3A_454 = arith.mulf %mul3A_453, %add3A_446 : vector<16xf32>
        %mul3A_455 = arith.mulf %mul3A_454, %bitcast3A_451 : vector<16xf32>
        %mul3A_456 = arith.mulf %mul3A_455, %bitcast3A_451 : vector<16xf32>
        %sub3A_457 = arith.constant 1.500000e+00 : f32
        %sub3A_458 = vector.broadcast %sub3A_457 : f32 to vector<16xf32>
        %sub3A_459 = arith.subf %sub3A_458, %mul3A_456 : vector<16xf32>
        %mul3A_460 = arith.mulf %bitcast3A_451, %sub3A_459 : vector<16xf32>
        %mul3A_461 = arith.constant 5.000000e-01 : f32
        %mul3A_462 = vector.broadcast %mul3A_461 : f32 to vector<16xf32>
        %mul3A_463 = arith.mulf %mul3A_462, %add3A_446 : vector<16xf32>
        %mul3A_464 = arith.mulf %mul3A_463, %mul3A_460 : vector<16xf32>
        %mul3A_465 = arith.mulf %mul3A_464, %mul3A_460 : vector<16xf32>
        %sub3A_466 = arith.constant 1.500000e+00 : f32
        %sub3A_467 = vector.broadcast %sub3A_466 : f32 to vector<16xf32>
        %sub3A_468 = arith.subf %sub3A_467, %mul3A_465 : vector<16xf32>
        %mul3A_469 = arith.mulf %mul3A_460, %sub3A_468 : vector<16xf32>
        %mul3A_470 = arith.constant 5.000000e-01 : f32
        %mul3A_471 = vector.broadcast %mul3A_470 : f32 to vector<16xf32>
        %mul3A_472 = arith.mulf %mul3A_471, %add3A_446 : vector<16xf32>
        %mul3A_473 = arith.mulf %mul3A_472, %mul3A_469 : vector<16xf32>
        %mul3A_474 = arith.mulf %mul3A_473, %mul3A_469 : vector<16xf32>
        %sub3A_475 = arith.constant 1.500000e+00 : f32
        %sub3A_476 = vector.broadcast %sub3A_475 : f32 to vector<16xf32>
        %sub3A_477 = arith.subf %sub3A_476, %mul3A_474 : vector<16xf32>
        %mul3A_478 = arith.mulf %mul3A_469, %sub3A_477 : vector<16xf32>
        %mul3A_479 = arith.mulf %get3A_393, %mul3A_478 : vector<16xf32>
        %swap3A = arith.constant 0 : i32
        %swap3A_480 = arith.constant 0 : i32
        %swap3A_481 = tpu.memref_slice %arg7[%scan3A_353, %swap3A, %swap3A_480] : memref<4x128x64xf32, #tpu.memory_space<vmem>> -> memref<1x128x64xf32, #tpu.memory_space<vmem>>
        %swap3A_482 = tpu.memref_squeeze %swap3A_481 : memref<1x128x64xf32, #tpu.memory_space<vmem>> -> memref<128x64xf32, #tpu.memory_space<vmem>>
        %swap3A_483 = arith.index_cast %scan3A_387 : i32 to index
        %swap3A_484 = arith.constant 0 : index
        %swap3A_485 = tpu.vector_load %swap3A_482[%swap3A_483, %swap3A_484] {strides = array<i32>} : memref<128x64xf32, #tpu.memory_space<vmem>>, vector<16xf32>,
        tpu.vector_store %swap3A_482[%swap3A_483, %swap3A_484], %mul3A_479 {strides = array<i32>} : memref<128x64xf32, #tpu.memory_space<vmem>>, vector<16xf32>,
        %mul3A_486 = arith.mulf %get3A_400, %mul3A_478 : vector<16xf32>
        %swap3A_487 = arith.constant 0 : i32
        %swap3A_488 = arith.constant 0 : i32
        %swap3A_489 = tpu.memref_slice %arg7[%scan3A_353, %swap3A_487, %swap3A_488] : memref<4x128x64xf32, #tpu.memory_space<vmem>> -> memref<1x128x64xf32, #tpu.memory_space<vmem>>
        %swap3A_490 = tpu.memref_squeeze %swap3A_489 : memref<1x128x64xf32, #tpu.memory_space<vmem>> -> memref<128x64xf32, #tpu.memory_space<vmem>>
        %swap3A_491 = arith.index_cast %scan3A_387 : i32 to index
        %swap3A_492 = arith.constant 16 : index
        %swap3A_493 = tpu.vector_load %swap3A_490[%swap3A_491, %swap3A_492] {strides = array<i32>} : memref<128x64xf32, #tpu.memory_space<vmem>>, vector<16xf32>,
        tpu.vector_store %swap3A_490[%swap3A_491, %swap3A_492], %mul3A_486 {strides = array<i32>} : memref<128x64xf32, #tpu.memory_space<vmem>>, vector<16xf32>,
        %mul3A_494 = arith.mulf %get3A_407, %mul3A_478 : vector<16xf32>
        %swap3A_495 = arith.constant 0 : i32
        %swap3A_496 = arith.constant 0 : i32
        %swap3A_497 = tpu.memref_slice %arg7[%scan3A_353, %swap3A_495, %swap3A_496] : memref<4x128x64xf32, #tpu.memory_space<vmem>> -> memref<1x128x64xf32, #tpu.memory_space<vmem>>
        %swap3A_498 = tpu.memref_squeeze %swap3A_497 : memref<1x128x64xf32, #tpu.memory_space<vmem>> -> memref<128x64xf32, #tpu.memory_space<vmem>>
        %swap3A_499 = arith.index_cast %scan3A_387 : i32 to index
        %swap3A_500 = arith.constant 32 : index
        %swap3A_501 = tpu.vector_load %swap3A_498[%swap3A_499, %swap3A_500] {strides = array<i32>} : memref<128x64xf32, #tpu.memory_space<vmem>>, vector<16xf32>,
        tpu.vector_store %swap3A_498[%swap3A_499, %swap3A_500], %mul3A_494 {strides = array<i32>} : memref<128x64xf32, #tpu.memory_space<vmem>>, vector<16xf32>,
        %mul3A_502 = arith.mulf %get3A_414, %mul3A_478 : vector<16xf32>
        %swap3A_503 = arith.constant 0 : i32
        %swap3A_504 = arith.constant 0 : i32
        %swap3A_505 = tpu.memref_slice %arg7[%scan3A_353, %swap3A_503, %swap3A_504] : memref<4x128x64xf32, #tpu.memory_space<vmem>> -> memref<1x128x64xf32, #tpu.memory_space<vmem>>
        %swap3A_506 = tpu.memref_squeeze %swap3A_505 : memref<1x128x64xf32, #tpu.memory_space<vmem>> -> memref<128x64xf32, #tpu.memory_space<vmem>>
        %swap3A_507 = arith.index_cast %scan3A_387 : i32 to index
        %swap3A_508 = arith.constant 48 : index
        %swap3A_509 = tpu.vector_load %swap3A_506[%swap3A_507, %swap3A_508] {strides = array<i32>} : memref<128x64xf32, #tpu.memory_space<vmem>>, vector<16xf32>,
        tpu.vector_store %swap3A_506[%swap3A_507, %swap3A_508], %mul3A_502 {strides = array<i32>} : memref<128x64xf32, #tpu.memory_space<vmem>>, vector<16xf32>,
      }
      %scan3A_358 = arith.constant 128 : i32
      %mul3A_359 = arith.constant 200 : i32
      %mul3A_360 = arith.muli %add3A, %mul3A_359 : i32
      %add3A_361 = arith.addi %mul3A_360, %add3A_331 : i32
      %mul3A_362 = arith.constant 128 : i32
      %mul3A_363 = arith.muli %add3A_361, %mul3A_362 : i32
      %dma_start3A_364 = arith.constant 3 : i32
      %dma_start3A_365 = arith.constant 3 : i32
      %dma_start3A_366 = arith.constant 0 : i32
      %dma_start3A_367 = arith.constant 0 : i32
      %dma_start3A_368 = tpu.memref_slice %arg7[%dma_start3A_364, %dma_start3A_366, %dma_start3A_367] : memref<4x128x64xf32, #tpu.memory_space<vmem>> -> memref<1x128x64xf32, #tpu.memory_space<vmem>>
      %dma_start3A_369 = tpu.memref_squeeze %dma_start3A_368 : memref<1x128x64xf32, #tpu.memory_space<vmem>> -> memref<128x64xf32, #tpu.memory_space<vmem>>
      %dma_start3A_370 = arith.constant 0 : i32
      %dma_start3A_371 = tpu.memref_slice %arg4[%mul3A_363, %dma_start3A_370] : memref<819200x64xf32, #tpu.memory_space<hbm>> -> memref<128x64xf32, #tpu.memory_space<hbm>>
      %dma_start3A_372 = tpu.memref_slice %arg9[%dma_start3A_365] : memref<4x!tpu.dma_semaphore, #tpu.memory_space<semaphore_mem>> -> memref<1x!tpu.dma_semaphore, #tpu.memory_space<semaphore_mem>>
      %dma_start3A_373 = tpu.memref_squeeze %dma_start3A_372 : memref<1x!tpu.dma_semaphore, #tpu.memory_space<semaphore_mem>> -> memref<!tpu.dma_semaphore, #tpu.memory_space<semaphore_mem>>
      %dma_start3A_374 = arith.constant 0 : i32
      %dma_start3A_375 = tpu.memref_slice %arg4[%mul3A_363, %dma_start3A_374] : memref<819200x64xf32, #tpu.memory_space<hbm>> -> memref<128x64xf32, #tpu.memory_space<hbm>>
      %dma_start3A_376 = arith.constant 0 : i32
      %dma_start3A_377 = arith.constant 0 : i32
      %dma_start3A_378 = tpu.memref_slice %arg7[%dma_start3A_364, %dma_start3A_376, %dma_start3A_377] : memref<4x128x64xf32, #tpu.memory_space<vmem>> -> memref<1x128x64xf32, #tpu.memory_space<vmem>>
      %dma_start3A_379 = tpu.memref_squeeze %dma_start3A_378 : memref<1x128x64xf32, #tpu.memory_space<vmem>> -> memref<128x64xf32, #tpu.memory_space<vmem>>
      tpu.enqueue_dma source(%dma_start3A_379 : memref<128x64xf32, #tpu.memory_space<vmem>>) target(%dma_start3A_375 : memref<128x64xf32, #tpu.memory_space<hbm>>) target_semaphore(%dma_start3A_373 : memref<!tpu.dma_semaphore, #tpu.memory_space<semaphore_mem>>)
      %add3A_380 = arith.constant 4 : i32
      %add3A_381 = arith.addi %add3A_331, %add3A_380 : i32
      %lt3A_382 = arith.constant 200 : i32
      %lt3A_383 = arith.cmpi slt, %add3A_381, %lt3A_382 : i32
      %convert_element_type3A_384 = arith.extui %lt3A_383 : i1 to i32
      %cond3A_385 = arith.constant 0 : i32
      %cond3A_386 = arith.cmpi ne, %convert_element_type3A_384, %cond3A_385 : i32
      scf.if %cond3A_386 {
        %add3A_387 = arith.constant 4 : i32
        %add3A_388 = arith.addi %add3A_331, %add3A_387 : i32
        %dma_start3A_389 = arith.constant 3 : i32
        %dma_start3A_390 = arith.constant 3 : i32
        %dma_start3A_391 = arith.constant 0 : i32
        %dma_start3A_392 = arith.constant 0 : i32
        %dma_start3A_393 = tpu.memref_slice %arg6[%dma_start3A_389, %dma_start3A_391, %dma_start3A_392] : memref<4x128x64xf32, #tpu.memory_space<vmem>> -> memref<1x128x64xf32, #tpu.memory_space<vmem>>
        %dma_start3A_394 = tpu.memref_squeeze %dma_start3A_393 : memref<1x128x64xf32, #tpu.memory_space<vmem>> -> memref<128x64xf32, #tpu.memory_space<vmem>>
        %dma_start3A_395 = arith.constant 0 : i32
        %dma_start3A_396 = tpu.memref_slice %arg5[%add3A_388, %dma_start3A_395] : memref<200x128xi32, #tpu.memory_space<vmem>> -> memref<1x128xi32, #tpu.memory_space<vmem>>
        %dma_start3A_397 = tpu.memref_squeeze %dma_start3A_396 : memref<1x128xi32, #tpu.memory_space<vmem>> -> memref<128xi32, #tpu.memory_space<vmem>>
        %dma_start3A_398 = arith.constant 0 : i32
        %dma_start3A_399 = arith.constant 0 : i32
        %dma_start3A_400 = tpu.memref_slice %arg3[%dma_start3A_398, %dma_start3A_399] : memref<1000000x64xf32, #tpu.memory_space<hbm>> -> memref<1000000x64xf32, #tpu.memory_space<hbm>>
        %dma_start3A_401 = tpu.memref_slice %arg8[%dma_start3A_390] : memref<4x!tpu.dma_semaphore, #tpu.memory_space<semaphore_mem>> -> memref<1x!tpu.dma_semaphore, #tpu.memory_space<semaphore_mem>>
        %dma_start3A_402 = tpu.memref_squeeze %dma_start3A_401 : memref<1x!tpu.dma_semaphore, #tpu.memory_space<semaphore_mem>> -> memref<!tpu.dma_semaphore, #tpu.memory_space<semaphore_mem>>
        tpu.enqueue_indirect_dma source(%dma_start3A_400 : memref<1000000x64xf32, #tpu.memory_space<hbm>>) target(%dma_start3A_394 : memref<128x64xf32, #tpu.memory_space<vmem>>) offsets(%dma_start3A_397 : memref<128xi32, #tpu.memory_space<vmem>>) semaphore(%dma_start3A_402 : memref<!tpu.dma_semaphore, #tpu.memory_space<semaphore_mem>>)
      } else {
      }
    }
    %scan3A_66 = arith.constant 50 : i32
    %mul3A_67 = arith.constant 200 : i32
    %mul3A_68 = arith.muli %add3A, %mul3A_67 : i32
    %add3A_69 = arith.constant 196 : i32
    %add3A_70 = arith.addi %mul3A_68, %add3A_69 : i32
    %mul3A_71 = arith.constant 128 : i32
    %mul3A_72 = arith.muli %add3A_70, %mul3A_71 : i32
    %dma_wait3A = arith.constant 0 : i32
    %dma_wait3A_73 = arith.constant 0 : i32
    %dma_wait3A_74 = arith.constant 0 : i32
    %dma_wait3A_75 = arith.constant 0 : i32
    %dma_wait3A_76 = tpu.memref_slice %arg7[%dma_wait3A, %dma_wait3A_74, %dma_wait3A_75] : memref<4x128x64xf32, #tpu.memory_space<vmem>> -> memref<1x128x64xf32, #tpu.memory_space<vmem>>
    %dma_wait3A_77 = tpu.memref_squeeze %dma_wait3A_76 : memref<1x128x64xf32, #tpu.memory_space<vmem>> -> memref<128x64xf32, #tpu.memory_space<vmem>>
    %dma_wait3A_78 = arith.constant 0 : i32
    %dma_wait3A_79 = tpu.memref_slice %arg4[%mul3A_72, %dma_wait3A_78] : memref<819200x64xf32, #tpu.memory_space<hbm>> -> memref<128x64xf32, #tpu.memory_space<hbm>>
    %dma_wait3A_80 = tpu.memref_slice %arg9[%dma_wait3A_73] : memref<4x!tpu.dma_semaphore, #tpu.memory_space<semaphore_mem>> -> memref<1x!tpu.dma_semaphore, #tpu.memory_space<semaphore_mem>>
    %dma_wait3A_81 = tpu.memref_squeeze %dma_wait3A_80 : memref<1x!tpu.dma_semaphore, #tpu.memory_space<semaphore_mem>> -> memref<!tpu.dma_semaphore, #tpu.memory_space<semaphore_mem>>
    %dma_wait3A_82 = arith.constant 0 : i32
    %dma_wait3A_83 = tpu.memref_slice %arg4[%mul3A_72, %dma_wait3A_82] : memref<819200x64xf32, #tpu.memory_space<hbm>> -> memref<128x64xf32, #tpu.memory_space<hbm>>
    %dma_wait3A_84 = arith.constant 0 : i32
    %dma_wait3A_85 = arith.constant 0 : i32
    %dma_wait3A_86 = tpu.memref_slice %arg7[%dma_wait3A, %dma_wait3A_84, %dma_wait3A_85] : memref<4x128x64xf32, #tpu.memory_space<vmem>> -> memref<1x128x64xf32, #tpu.memory_space<vmem>>
    %dma_wait3A_87 = tpu.memref_squeeze %dma_wait3A_86 : memref<1x128x64xf32, #tpu.memory_space<vmem>> -> memref<128x64xf32, #tpu.memory_space<vmem>>
    tpu.wait_dma2 semaphore(%dma_wait3A_81 : memref<!tpu.dma_semaphore, #tpu.memory_space<semaphore_mem>>) src(%dma_wait3A_87 : memref<128x64xf32, #tpu.memory_space<vmem>>) dst(%dma_wait3A_83 : memref<128x64xf32, #tpu.memory_space<hbm>>)
    %mul3A_88 = arith.constant 200 : i32
    %mul3A_89 = arith.muli %add3A, %mul3A_88 : i32
    %add3A_90 = arith.constant 197 : i32
    %add3A_91 = arith.addi %mul3A_89, %add3A_90 : i32
    %mul3A_92 = arith.constant 128 : i32
    %mul3A_93 = arith.muli %add3A_91, %mul3A_92 : i32
    %dma_wait3A_94 = arith.constant 1 : i32
    %dma_wait3A_95 = arith.constant 1 : i32
    %dma_wait3A_96 = arith.constant 0 : i32
    %dma_wait3A_97 = arith.constant 0 : i32
    %dma_wait3A_98 = tpu.memref_slice %arg7[%dma_wait3A_94, %dma_wait3A_96, %dma_wait3A_97] : memref<4x128x64xf32, #tpu.memory_space<vmem>> -> memref<1x128x64xf32, #tpu.memory_space<vmem>>
    %dma_wait3A_99 = tpu.memref_squeeze %dma_wait3A_98 : memref<1x128x64xf32, #tpu.memory_space<vmem>> -> memref<128x64xf32, #tpu.memory_space<vmem>>
    %dma_wait3A_100 = arith.constant 0 : i32
    %dma_wait3A_101 = tpu.memref_slice %arg4[%mul3A_93, %dma_wait3A_100] : memref<819200x64xf32, #tpu.memory_space<hbm>> -> memref<128x64xf32, #tpu.memory_space<hbm>>
    %dma_wait3A_102 = tpu.memref_slice %arg9[%dma_wait3A_95] : memref<4x!tpu.dma_semaphore, #tpu.memory_space<semaphore_mem>> -> memref<1x!tpu.dma_semaphore, #tpu.memory_space<semaphore_mem>>
    %dma_wait3A_103 = tpu.memref_squeeze %dma_wait3A_102 : memref<1x!tpu.dma_semaphore, #tpu.memory_space<semaphore_mem>> -> memref<!tpu.dma_semaphore, #tpu.memory_space<semaphore_mem>>
    %dma_wait3A_104 = arith.constant 0 : i32
    %dma_wait3A_105 = tpu.memref_slice %arg4[%mul3A_93, %dma_wait3A_104] : memref<819200x64xf32, #tpu.memory_space<hbm>> -> memref<128x64xf32, #tpu.memory_space<hbm>>
    %dma_wait3A_106 = arith.constant 0 : i32
    %dma_wait3A_107 = arith.constant 0 : i32
    %dma_wait3A_108 = tpu.memref_slice %arg7[%dma_wait3A_94, %dma_wait3A_106, %dma_wait3A_107] : memref<4x128x64xf32, #tpu.memory_space<vmem>> -> memref<1x128x64xf32, #tpu.memory_space<vmem>>
    %dma_wait3A_109 = tpu.memref_squeeze %dma_wait3A_108 : memref<1x128x64xf32, #tpu.memory_space<vmem>> -> memref<128x64xf32, #tpu.memory_space<vmem>>
    tpu.wait_dma2 semaphore(%dma_wait3A_103 : memref<!tpu.dma_semaphore, #tpu.memory_space<semaphore_mem>>) src(%dma_wait3A_109 : memref<128x64xf32, #tpu.memory_space<vmem>>) dst(%dma_wait3A_105 : memref<128x64xf32, #tpu.memory_space<hbm>>)
    %mul3A_110 = arith.constant 200 : i32
    %mul3A_111 = arith.muli %add3A, %mul3A_110 : i32
    %add3A_112 = arith.constant 198 : i32
    %add3A_113 = arith.addi %mul3A_111, %add3A_112 : i32
    %mul3A_114 = arith.constant 128 : i32
    %mul3A_115 = arith.muli %add3A_113, %mul3A_114 : i32
    %dma_wait3A_116 = arith.constant 2 : i32
    %dma_wait3A_117 = arith.constant 2 : i32
    %dma_wait3A_118 = arith.constant 0 : i32
    %dma_wait3A_119 = arith.constant 0 : i32
    %dma_wait3A_120 = tpu.memref_slice %arg7[%dma_wait3A_116, %dma_wait3A_118, %dma_wait3A_119] : memref<4x128x64xf32, #tpu.memory_space<vmem>> -> memref<1x128x64xf32, #tpu.memory_space<vmem>>
    %dma_wait3A_121 = tpu.memref_squeeze %dma_wait3A_120 : memref<1x128x64xf32, #tpu.memory_space<vmem>> -> memref<128x64xf32, #tpu.memory_space<vmem>>
    %dma_wait3A_122 = arith.constant 0 : i32
    %dma_wait3A_123 = tpu.memref_slice %arg4[%mul3A_115, %dma_wait3A_122] : memref<819200x64xf32, #tpu.memory_space<hbm>> -> memref<128x64xf32, #tpu.memory_space<hbm>>
    %dma_wait3A_124 = tpu.memref_slice %arg9[%dma_wait3A_117] : memref<4x!tpu.dma_semaphore, #tpu.memory_space<semaphore_mem>> -> memref<1x!tpu.dma_semaphore, #tpu.memory_space<semaphore_mem>>
    %dma_wait3A_125 = tpu.memref_squeeze %dma_wait3A_124 : memref<1x!tpu.dma_semaphore, #tpu.memory_space<semaphore_mem>> -> memref<!tpu.dma_semaphore, #tpu.memory_space<semaphore_mem>>
    %dma_wait3A_126 = arith.constant 0 : i32
    %dma_wait3A_127 = tpu.memref_slice %arg4[%mul3A_115, %dma_wait3A_126] : memref<819200x64xf32, #tpu.memory_space<hbm>> -> memref<128x64xf32, #tpu.memory_space<hbm>>
    %dma_wait3A_128 = arith.constant 0 : i32
    %dma_wait3A_129 = arith.constant 0 : i32
    %dma_wait3A_130 = tpu.memref_slice %arg7[%dma_wait3A_116, %dma_wait3A_128, %dma_wait3A_129] : memref<4x128x64xf32, #tpu.memory_space<vmem>> -> memref<1x128x64xf32, #tpu.memory_space<vmem>>
    %dma_wait3A_131 = tpu.memref_squeeze %dma_wait3A_130 : memref<1x128x64xf32, #tpu.memory_space<vmem>> -> memref<128x64xf32, #tpu.memory_space<vmem>>
    tpu.wait_dma2 semaphore(%dma_wait3A_125 : memref<!tpu.dma_semaphore, #tpu.memory_space<semaphore_mem>>) src(%dma_wait3A_131 : memref<128x64xf32, #tpu.memory_space<vmem>>) dst(%dma_wait3A_127 : memref<128x64xf32, #tpu.memory_space<hbm>>)
    %mul3A_132 = arith.constant 200 : i32
    %mul3A_133 = arith.muli %add3A, %mul3A_132 : i32
    %add3A_134 = arith.constant 199 : i32
    %add3A_135 = arith.addi %mul3A_133, %add3A_134 : i32
    %mul3A_136 = arith.constant 128 : i32
    %mul3A_137 = arith.muli %add3A_135, %mul3A_136 : i32
    %dma_wait3A_138 = arith.constant 3 : i32
    %dma_wait3A_139 = arith.constant 3 : i32
    %dma_wait3A_140 = arith.constant 0 : i32
    %dma_wait3A_141 = arith.constant 0 : i32
    %dma_wait3A_142 = tpu.memref_slice %arg7[%dma_wait3A_138, %dma_wait3A_140, %dma_wait3A_141] : memref<4x128x64xf32, #tpu.memory_space<vmem>> -> memref<1x128x64xf32, #tpu.memory_space<vmem>>
    %dma_wait3A_143 = tpu.memref_squeeze %dma_wait3A_142 : memref<1x128x64xf32, #tpu.memory_space<vmem>> -> memref<128x64xf32, #tpu.memory_space<vmem>>
    %dma_wait3A_144 = arith.constant 0 : i32
    %dma_wait3A_145 = tpu.memref_slice %arg4[%mul3A_137, %dma_wait3A_144] : memref<819200x64xf32, #tpu.memory_space<hbm>> -> memref<128x64xf32, #tpu.memory_space<hbm>>
    %dma_wait3A_146 = tpu.memref_slice %arg9[%dma_wait3A_139] : memref<4x!tpu.dma_semaphore, #tpu.memory_space<semaphore_mem>> -> memref<1x!tpu.dma_semaphore, #tpu.memory_space<semaphore_mem>>
    %dma_wait3A_147 = tpu.memref_squeeze %dma_wait3A_146 : memref<1x!tpu.dma_semaphore, #tpu.memory_space<semaphore_mem>> -> memref<!tpu.dma_semaphore, #tpu.memory_space<semaphore_mem>>
    %dma_wait3A_148 = arith.constant 0 : i32
    %dma_wait3A_149 = tpu.memref_slice %arg4[%mul3A_137, %dma_wait3A_148] : memref<819200x64xf32, #tpu.memory_space<hbm>> -> memref<128x64xf32, #tpu.memory_space<hbm>>
    %dma_wait3A_150 = arith.constant 0 : i32
    %dma_wait3A_151 = arith.constant 0 : i32
    %dma_wait3A_152 = tpu.memref_slice %arg7[%dma_wait3A_138, %dma_wait3A_150, %dma_wait3A_151] : memref<4x128x64xf32, #tpu.memory_space<vmem>> -> memref<1x128x64xf32, #tpu.memory_space<vmem>>
    %dma_wait3A_153 = tpu.memref_squeeze %dma_wait3A_152 : memref<1x128x64xf32, #tpu.memory_space<vmem>> -> memref<128x64xf32, #tpu.memory_space<vmem>>
    tpu.wait_dma2 semaphore(%dma_wait3A_147 : memref<!tpu.dma_semaphore, #tpu.memory_space<semaphore_mem>>) src(%dma_wait3A_153 : memref<128x64xf32, #tpu.memory_space<vmem>>) dst(%dma_wait3A_149 : memref<128x64xf32, #tpu.memory_space<hbm>>)
    return
  }
}

</mosaic_0001>

<sc_bundles>
// kernel: kernel.3.cloned.1.call-start
scs
__scs_entry_jumppad:
0x0: {  	(pc) =	sbr.rel $0x88, $3  }
0x1: {  	(tag) =	ssettag $0x0;
	lr =	simm.s32 $0x1  }
0x2: {  	[smem:$0x3F9F] =	sst lr;
	_ =	strace $0xD0000000  }
0x3: {  	_ = 	snop  }
0x4: {  	_ = 	snop  }
0x5: {  	_ = 	snop  }
0x6: {  	_ = 	snop  }
0x7: {  	_ = 	snop  }
__scs_overlays_trampoline_lowered:
0x8: {  	[smem:$0x3FAE] =	sst s0  }
0x9: {  	[smem:$0x3FAF] =	sst s1  }
0xa: {  	[smem:$0x3FB0] =	sst s2  }
0xb: {  	[smem:$0x3FB1] =	sst s3  }
0xc: {  	[smem:$0x3FB2] =	sst s4  }
0xd: {  	[smem:$0x3FB3] =	sst s5  }
0xe: {  	[smem:$0x3FB4] =	sst s6  }
0xf: {  	[smem:$0x3FB5] =	sst s7  }
0x10: {  	[smem:$0x3FB6] =	sst s8  }
0x11: {  	[smem:$0x3FB7] =	sst s9;
	s0 =	simm.s32 @!p0 $0x0  }
0x12: {  	s1 =	sld [smem:$0x3F9D];
	s0 =	simm.s32 @p0 $0x1  }
0x13: {  	[smem:$0x3FB8] =	sst s0;
	s0 =	simm.s32 @!p1 $0x0  }
0x14: {  	s2 =	sld [smem:$0x3F9C];
	s0 =	simm.s32 @p1 $0x1  }
0x15: {  	[smem:$0x3FB9] =	sst s0;
	s0 =	simm.s32 @!p2 $0x0  }
0x16: {  	s3 =	sld [smem:$0x3FDB];
	s0 =	simm.s32 @p2 $0x1  }
0x17: {  	s4 =	simm.s32 $0x1BF5;
	[smem:$0x3FBB] =	sst s0  }
0x18: {  	s0 =	sld [smem:$0x3F9E];
	_ =	swait.ge [sflag:s4], $0x0  }
0x19: {  	s7 =	sld [smem:$0x3F9F]  }
0x1a: {  	s8 =	sadd.s32 $0xFFFFE003, lr  }
0x1b: {  	s9 =	sadd.s32 $0xFFFFFEF7, lr;
	s5 =	simm.s32 $0xFFFFFFFF;
	p2 =	slt.u32 s8, $0xFFFFF086  }
0x1c: {  	p1 =	slt.u32 s9, $0xF7A;
	s5 =	simm.s32 @!p2 $0x0  }
0x1d: {  	s5 =	simm.s32 @p1 $0x1;
	p0 =	seq.s32 s7, s2  }
0x1e: {  	s7 =	smul.u32 @!p0 $0xF7A, s2;
	p2 =	seq.s32 @!p0 s5, $0x0  }
0x1f: {  	s9 =	smul.u32 $0xF7A, s1;
	s8 =	simm.s32 @!p0 $0x1BF5;
	p2 =	por !p2, p0  }
0x20: {  	[sflag:s8] =	ssyncset.s32 @!p0 $0xFFFFF086;
	s6 =	sadd.s32 @!p0 s3, s7;
	s7 =	simm.s32 @!p0 $0x108  }
0x21: {  	s3 =	sadd.s32 s3, s9;
	s6 =	sadd.s32 @!p0 $0x88, s6;
	s7 =	simm.s32 @p2 $0x1082  }
0x22: {  	[simem:s7], [sflag:s8] =	dma.local @!p0 [hbm:s6], $0xF7A  }
0x23: {  	s9 =	sor.u32 $0xD0000000, s2;
	s6 =	simm.s32 $0x108;
	_ =	swait.ge @!p0 [sflag:s8], $0x0  }
0x24: {  	s3 =	sadd.s32 $0x88, s3;
	s6 =	simm.s32 @!p1 $0x1082;
	[sflag:s4] =	ssyncset.s32 $0xFFFFF086  }
0x25: {  	[simem:s6], [sflag:s4] =	dma.local [hbm:s3], $0xF7A  }
0x26: {  	[smem:$0x3F9F] =	sst s1;
	(tag) =	ssettag s2;
	_ =	strace s9  }
0x27: {  	s1 =	sld [smem:$0x3FAF]  }
0x28: {  	s2 =	sld [smem:$0x3FB0]  }
0x29: {  	s4 =	sld [smem:$0x3FB2]  }
0x2a: {  	p0 =	seq.s32 s5, $0x0;
	s5 =	sld [smem:$0x3FB3]  }
0x2b: {  	s6 =	sld [smem:$0x3FB4]  }
0x2c: {  	s7 =	sld [smem:$0x3FB5]  }
0x2d: {  	s3 =	simm.s32 $0x108;
	s8 =	sld [smem:$0x3FB6]  }
0x2e: {  	s3 =	simm.s32 @!p0 $0x1082;
	s9 =	sld [smem:$0x3FB7]  }
0x2f: {  	lr =	sadd.s32 s0, s3;
	s0 =	sld [smem:$0x3FAE]  }
0x30: {  	s3 =	sld [smem:$0x3FB1]  }
0x31: {  	[smem:$0x3FBA] =	sst s10  }
0x32: {  	s10 =	sld [smem:$0x3FB8];
	_ =	sdelay $0x3  }
0x33: {  	p0 =	seq.s32 s10, $0x1;
	s10 =	sld [smem:$0x3FBA];
	_ =	sdelay $0x3  }
0x34: {  	[smem:$0x3FBA] =	sst s10  }
0x35: {  	s10 =	sld [smem:$0x3FB9];
	_ =	sdelay $0x3  }
0x36: {  	p1 =	seq.s32 s10, $0x1;
	s10 =	sld [smem:$0x3FBA];
	_ =	sdelay $0x3  }
0x37: {  	[smem:$0x3FBA] =	sst s10  }
0x38: {  	s10 =	sld [smem:$0x3FBB]  }
0x39: {  	_ = 	snop;
	(pc) =	sbr.ind lr, $3  }
0x3a: {  	_ = 	snop  }
0x3b: {  	_ = 	snop  }
0x3c: {  	p2 =	seq.s32 s10, $0x1;
	s10 =	sld [smem:$0x3FBA]  }
0x3d: {  	_ =	shalt  }
0x3e: {  	_ =	shalt  }
0x3f: {  	_ =	shalt  }
0x40: {  	_ =	shalt  }
0x41: {  	_ =	shalt  }
0x42: {  	_ =	shalt  }
0x43: {  	_ =	shalt  }
0x44: {  	_ =	shalt  }
0x45: {  	_ =	shalt  }
0x46: {  	_ =	shalt  }
0x47: {  	_ =	shalt  }
0x48: {  	_ =	shalt  }
0x49: {  	_ =	shalt  }
0x4a: {  	_ =	shalt  }
0x4b: {  	_ =	shalt  }
0x4c: {  	_ =	shalt  }
0x4d: {  	_ =	shalt  }
0x4e: {  	_ =	shalt  }
0x4f: {  	_ =	shalt  }
0x50: {  	_ =	shalt  }
0x51: {  	_ =	shalt  }
0x52: {  	_ =	shalt  }
0x53: {  	_ =	shalt  }
0x54: {  	_ =	shalt  }
0x55: {  	_ =	shalt  }
0x56: {  	_ =	shalt  }
0x57: {  	_ =	shalt  }
0x58: {  	_ =	shalt  }
0x59: {  	_ =	shalt  }
0x5a: {  	_ =	shalt  }
0x5b: {  	_ =	shalt  }
0x5c: {  	_ =	shalt  }
0x5d: {  	_ =	shalt  }
0x5e: {  	_ =	shalt  }
0x5f: {  	_ =	shalt  }
0x60: {  	_ =	shalt  }
0x61: {  	_ =	shalt  }
0x62: {  	_ =	shalt  }
0x63: {  	_ =	shalt  }
0x64: {  	_ =	shalt  }
0x65: {  	_ =	shalt  }
0x66: {  	_ =	shalt  }
0x67: {  	_ =	shalt  }
0x68: {  	_ =	shalt  }
0x69: {  	_ =	shalt  }
0x6a: {  	_ =	shalt  }
0x6b: {  	_ =	shalt  }
0x6c: {  	_ =	shalt  }
0x6d: {  	_ =	shalt  }
0x6e: {  	_ =	shalt  }
0x6f: {  	_ =	shalt  }
0x70: {  	_ =	shalt  }
0x71: {  	_ =	shalt  }
0x72: {  	_ =	shalt  }
0x73: {  	_ =	shalt  }
0x74: {  	_ =	shalt  }
0x75: {  	_ =	shalt  }
0x76: {  	_ =	shalt  }
0x77: {  	_ =	shalt  }
0x78: {  	_ =	shalt  }
0x79: {  	_ =	shalt  }
0x7a: {  	_ =	shalt  }
0x7b: {  	_ =	shalt  }
0x7c: {  	_ =	shalt  }
0x7d: {  	_ =	shalt  }
0x7e: {  	_ =	shalt  }
0x7f: {  	_ =	shalt  }
0x80: {  	_ =	shalt  }
0x81: {  	_ =	shalt  }
0x82: {  	_ =	shalt  }
0x83: {  	_ =	shalt  }
0x84: {  	_ =	shalt  }
0x85: {  	_ =	shalt  }
0x86: {  	_ =	shalt  }
0x87: {  	_ =	shalt  }
.Lfunc_end0:
.L_simem_size_0:
called_computation.1_lowered:
.L_overlay_start_0:
0x88: {  	s2 =	sld [smem:$0x3FD9]  }
0x89: {  	s3 =	sld [smem:$0x3FFE];
	_ =	sdelay $0x1  }
0x8a: {  	s1 =	srdreg.scid  }
0x8b: {  	s0 =	sand.u32 $0x1, s1  }
0x8c: {  	s17 =	sshll.u32 s0, $0xA;
	s2 =	sadd.s32 s3, s2  }
0x8d: {  	s2 =	sadd.s32 s2, s17  }
0x8e: {  	[smem:$0x3FC6] =	sst s2  }
0x8f: {  	_ = 	snop  }
0x90: {  	s2 =	sld [smem:$0x3FD0];
	(tm) =	ssettm $0x1  }
0x91: {  	s18 =	sld [smem:$0x3FFB];
	_ =	sdelay $0x3  }
0x92: {  	_ =	strace s18  }
0x93: {  	s3 =	sld [smem:$0x3FFC];
	_ =	sdelay $0x3  }
0x94: {  	_ =	strace s3  }
0x95: {  	s3 =	sld [smem:$0x3FFD];
	_ =	sdelay $0x3  }
0x96: {  	_ =	strace s3  }
0x97: {  	_ =	strace $0x8FFFFFFF  }
0x98: {  	s19 =	sld [smem:$0x3FDB];
	_ =	sdelay $0x1  }
0x99: {  	s4 =	simm.s32 $_scs_section_size  }
0x9a: {  	s5 =	simm.s32 $_size__tile_overlayer_lowered;
	s6 =	simm.s32 $_tile_overlayer_lowered  }
0x9b: {  	s22 =	simm.s32 $0x1BFF;
	s21 =	sshll.u32 s6, $0x1;
	s3 =	sadd.s32 s4, s19  }
0x9c: {  	s7 =	simm.s32 $0x0;
	s20 =	sshll.u32 s5, $0x1;
	s5 =	sadd.s32 s21, s3  }
0x9d: {  	[timem:s7], [sflag:s22] =	dma.local [hbm:s5], s20  }
0x9e: {  	_ =	swait.ge [sflag:s22], s20  }
0x9f: {  	s4 =	ssub.s32 $0x0, s20;
	[sflag:s22] =	ssyncset.done $0x0  }
0xa0: {  	[sflag:s22] =	ssyncadd.s32 s4;
	_ =	sdelay $0x1  }
0xa1: {  	s23 =	simm.s32 $0x1B8B  }
0xa2: {  	_ =	swait.ge [sflag:s23], $0x1  }
0xa3: {  	[sflag:s23] =	ssyncset.done $0x0  }
0xa4: {  	s25 =	simm.s32 $0x1B8E;
	s24 =	sld [smem:$0x3FFE];
	[sflag:s23] =	ssyncadd.s32 $0xFFFFFFFF  }
0xa5: {  	s26 =	simm.s32 $execute0_lowered;
	[smem:$0x3FD2] =	sst s25  }
0xa6: {  	s5 =	sshll.u32 s26, $0x1;
	_ =	strace $0x80000046;
	[dreg:$0x1] =	wrdreg $0xFFFFFFFF  }
0xa7: {  	s28 =	simm.s32 $_size_execute0_lowered;
	s3 =	sadd.s32 s3, s5;
	[dreg:$0x0] =	wrdreg $0x0  }
0xa8: {  	s5 =	sshll.u32 s28, $0x1;
	[dreg:$0x2] =	wrdreg s3  }
0xa9: {  	[dreg:$0x3] =	wrdreg s5  }
0xaa: {  	[dreg:$0x4] =	wrdreg $0xC0  }
0xab: {  	_ =	task [dreg:s7], $0x5FFFF  }
0xac: {  	[dreg:$0x1] =	wrdreg $0xFFFFFFFF  }
0xad: {  	[dreg:$0x0] =	wrdreg $0x60  }
0xae: {  	[dreg:$0x2] =	wrdreg s24  }
0xaf: {  	[dreg:$0x3] =	wrdreg s2  }
0xb0: {  	[dreg:$0x4] =	wrdreg $0x9  }
0xb1: {  	_ =	task.clear_ibuf [dreg:s7], $0x5FFFF;
	_ =	strace $0x90000046  }
0xb2: {  	s29 =	simm.s32 $0x9;
	_ =	strace $0x80000048  }
0xb3: {  	_ =	swait.ge [sflag:s29], $0x1  }
0xb4: {  	[sflag:s29] =	ssyncadd.s32 $0xFFFFFFFF  }
0xb5: {  	_ =	strace $0x90000048  }
0xb6: {  	_ =	sfence  }
0xb7: {  	s30 =	sld [smem:$0x0];
	_ =	sdelay $0x2  }
0xb8: {  	s31 =	sshll.u32 s1, $0xD;
	s1 =	sshrl.u32 s1, $0x2  }
0xb9: {  	s3 =	sand.u32 $0x4000, s31;
	s1 =	sadd.s32 s1, s30  }
0xba: {  	s0 =	sor.u32 s3, s0;
	s1 =	sshll.u32 s1, $0x11  }
0xbb: {  	s0 =	sor.u32 s1, s0  }
0xbc: {  	s0 =	sadd.s32 $0x8F2B, s0  }
0xbd: {  	[sflag:s0] =	ssyncadd.remote.s32 $0x1  }
0xbe: {  	_ =	sfence.sel $0xFFFF  }
0xbf: {  	[dreg:$0x0] =	wrdreg $0xFFFFFFFF;
	(pc) =	sbr.abs _section_cstart, $3  }
0xc0: {  	[dreg:$0x1] =	wrdreg $0xFFFFFFFF  }
0xc1: {  	_ =	task.clear_ibuf [dreg:s7], $0x2FFFF;
	_ =	strace $0x9FFFFFFF  }
0xc2: {  	(tm) =	ssettm $0x7FFFFFFF  }
0xc3: {  	_ =	shalt  }
tec
execute0_lowered:
.L_overlay_start_1:
0x0: {  	(tag) =	ssettag $0x1  }
0x1: {  	s0 =	rddreg [dreg:$0x0];
	s1 =	srdreg.scid  }
0x2: {  	s3 =	stileid.u32;
	s2 =	rddreg [dreg:$0x1];
	v0 =	vimm.s32 $0xFEDCBA98;
	s7 =	simm.s32 $0x9  }
0x3: {  	v1 =	vimm.s32 $0x76543210;
	v2 =	vimm.s32 $0xBA98FEDC;
	s12 =	simm.s32 $0x80;
	s15 =	simm.s32 $0xC400;
	s16 =	simm.s32 $0x1  }
0x4: {  	v3 =	vimm.s32 $0x32107654;
	v4 =	vimm.s32 $0xDCFE98BA;
	s17 =	simm.s32 $0xE400;
	s18 =	simm.s32 $0x2;
	s19 =	simm.s32 $0x10400  }
0x5: {  	v5 =	vimm.s32 $0x54761032;
	v6 =	vimm.s32 $0xEFCDAB89;
	s20 =	simm.s32 $0x3;
	s21 =	simm.s32 $0x12400;
	s22 =	simm.s32 $0x4  }
0x6: {  	v7 =	vimm.s32 $0x67452301;
	s23 =	simm.s32 $0x14400;
	s1 =	sand.u32 $0x1, s1;
	s4 =	sshll.u32 s3, $0x1;
	v0 =	vunpack.c.l.s4.s8 v0;
	v1 =	vunpack.c.l.s4.s8 v1  }
0x7: {  	s24 =	simm.s32 $0x5;
	s25 =	simm.s32 $0x6;
	v2 =	vunpack.c.l.s4.s8 v2;
	v3 =	vunpack.c.l.s4.s8 v3;
	v4 =	vunpack.c.l.s4.s8 v4;
	s5 =	sor.u32 s1, s4  }
0x8: {  	s26 =	simm.s32 $0x7;
	s28 =	simm.s32 $0x8;
	v5 =	vunpack.c.l.s4.s8 v5;
	v6 =	vunpack.c.l.s4.s8 v6;
	v7 =	vunpack.c.l.s4.s8 v7;
	s4 =	smul.u32 $0xC80, s5  }
.Ltmp0:
0x9: {  	s3 =	simm.s32 $0x0;
	s1 =	ssub.s32 $0x2, s1;
	v0 =	vunpack.c.0.s8.s32 v0;
	v1 =	vunpack.c.0.s8.s32 v1;
	v2 =	vunpack.c.0.s8.s32 v2;
	(pc) =	sbr.rel .LBB2_1-.Ltmp0, $4  }
0xa: {  	[smem:$0x7FF] =	sst s3;
	s31 =	sshrl.u32 s1, $0x1;
	v3 =	vunpack.c.0.s8.s32 v3;
	v4 =	vunpack.c.0.s8.s32 v4;
	v5 =	vunpack.c.0.s8.s32 v5;
	s6 =	sadd.s32 s4, s0  }
0xb: {  	v6 =	vunpack.c.0.s8.s32 v6;
	v7 =	vunpack.c.0.s8.s32 v7;
	s4 =	sadd.s32 $0xF42E00, s0;
	v0 =	vand.u32 $0xF, v0;
	s0 =	ssub.s32 s1, s31;
	s6 =	sadd.s32 $0xA00, s6  }
0xc: {  	_ =	strace $0x80000047;
	s0 =	smax.u32 s0, $0x1;
	v0 =	vcombine.low v0, v1;
	v1 =	vcombine.low v3, v2;
	[dreg:$0x3] =	wrdreg s6  }
0xd: {  	s29 =	simm.s32 $0x0;
	s5 =	smul.u32 $0xC8, s5;
	v2 =	vcombine.low v5, v4;
	v3 =	vcombine.low v7, v6;
	[dreg:$0x4] =	wrdreg s0  }
.LBB2_18:
0xe: {  	_ =	swait.ge [sflag:s24], $0x2000  }
0xf: {  	[sflag:s24] =	ssyncset.done $0x0  }
0x10: {  	[sflag:s24] =	ssyncadd.s32 $0xFFFFE000  }
0x11: {  	_ =	swait.ge [sflag:s25], $0x2000  }
0x12: {  	[sflag:s25] =	ssyncset.done $0x0  }
0x13: {  	[sflag:s25] =	ssyncadd.s32 $0xFFFFE000  }
0x14: {  	_ =	swait.ge [sflag:s26], $0x2000  }
0x15: {  	[sflag:s26] =	ssyncset.done $0x0  }
0x16: {  	[sflag:s26] =	ssyncadd.s32 $0xFFFFE000  }
0x17: {  	_ =	swait.ge [sflag:s28], $0x2000  }
0x18: {  	s29 =	sadd.s32 $0x1, s29;
	s0 =	rddreg [dreg:$0x4]  }
0x19: {  	p0 =	sne.s32 s29, s0  }
.Ltmp1:
0x1a: {  	_ = 	snop;
	(pc) =	sbr.rel @!p0 .LBB2_19-.Ltmp1, $3  }
0x1b: {  	_ =	sdelay $0x1  }
0x1c: {  	[sflag:s28] =	ssyncset.done $0x0  }
0x1d: {  	[sflag:s28] =	ssyncadd.s32 $0xFFFFE000  }
.LBB2_1:
0x1e: {  	s0 =	rddreg [dreg:$0x3]  }
0x1f: {  	[tilespmem:s3], [sflag:$0x9] =	stream.linear.gather [hbm4b:s0+s3], $0x6400, $0x38;
	[tilespmem:$0x16400] =	vst v63  }
0x20: {  	_ =	swait.ge [sflag:s7], $0x6400  }
0x21: {  	[sflag:s7] =	ssyncset.done $0x0  }
0x22: {  	s11 =	simm.s32 $0x6400;
	[sflag:s7] =	ssyncadd.s32 $0xFFFF9C00  }
0x23: {  	[tilespmem:s11], [sflag:$0x1] =	stream.indirect.gather [hbm4b:s4+s12], $0x40, s3, s12, $0xb8;
	[tilespmem:$0x16400] =	vst v63  }
0x24: {  	s13 =	simm.s32 $0x8400  }
0x25: {  	[tilespmem:s13], [sflag:$0x2] =	stream.indirect.gather [hbm4b:s4+s12], $0x40, s12, s12, $0xb8;
	[tilespmem:$0x16400] =	vst v63  }
0x26: {  	s14 =	simm.s32 $0xA400;
	s1 =	simm.s32 $0x100  }
0x27: {  	[tilespmem:s14], [sflag:$0x3] =	stream.indirect.gather [hbm4b:s4+s12], $0x40, s1, s12, $0xb8;
	[tilespmem:$0x16400] =	vst v63  }
0x28: {  	s31 =	simm.s32 $0x180;
	s30 =	simm.s32 $0x0  }
0x29: {  	[tilespmem:s15], [sflag:$0x4] =	stream.indirect.gather [hbm4b:s4+s12], $0x40, s31, s12, $0xb8;
	[tilespmem:$0x16400] =	vst v63  }
.LBB2_2:
0x2a: {  	p0 =	seq.s32 s30, $0x0  }
0x2b: {  	s0 =	simm.s32 @!p0 $0x5  }
0x2c: {  	_ =	swait.ge @!p0 [sflag:s0], $0x2000  }
0x2d: {  	[sflag:s0] =	ssyncset.done @!p0 $0x0  }
0x2e: {  	[sflag:s0] =	ssyncadd.s32 @!p0 $0xFFFFE000  }
0x2f: {  	_ =	swait.ge [sflag:s16], $0x2000  }
0x30: {  	[sflag:s16] =	ssyncset.done $0x0  }
0x31: {  	s10 =	simm.s32 $0x0;
	[sflag:s16] =	ssyncadd.s32 $0xFFFFE000  }
0x32: {  	v20 =	vld [tilespmem:s10+$0x6400]  }
0x33: {  	v24 =	vld [tilespmem:s10+$0x6410];
	_ =	sdelay $0x1  }
0x34: {  	v23 =	vld [tilespmem:s10+$0x6420];
	_ =	sdelay $0x1  }
0x35: {  	v19 =	vld [tilespmem:s10+$0x6430]  }
0x36: {  	v4 =	vmul.f32 v20, v20;
	v5 =	vmul.f32 v24, v24;
	_ =	sdelay $0x1  }
0x37: {  	v4 =	vadd.f32 v5, v4;
	v5 =	vmul.f32 v23, v23;
	_ =	sdelay $0x1  }
0x38: {  	v4 =	vadd.f32 v5, v4;
	v5 =	vmul.f32 v19, v19;
	_ =	sdelay $0x1  }
0x39: {  	s0 =	simm.s32 $0x40;
	v4 =	vadd.f32 v5, v4  }
0x3a: {  	v7 =	vld [tilespmem:s0+$0x6400]  }
0x3b: {  	v5 =	vld [tilespmem:s0+$0x6410];
	v8 =	vperm.xlane v4, v0;
	_ =	sdelay $0x1  }
0x3c: {  	v6 =	vld [tilespmem:s0+$0x6420];
	v4 =	vadd.f32 v4, v8;
	_ =	sdelay $0x1  }
0x3d: {  	v10 =	vld [tilespmem:s0+$0x6430];
	v8 =	vperm.xlane v4, v1  }
0x3e: {  	v9 =	vmul.f32 v7, v7;
	v11 =	vmul.f32 v5, v5  }
0x3f: {  	v4 =	vadd.f32 v4, v8  }
0x40: {  	v8 =	vadd.f32 v11, v9;
	v9 =	vmul.f32 v6, v6  }
0x41: {  	v11 =	vperm.xlane v4, v2  }
0x42: {  	v8 =	vadd.f32 v9, v8;
	v9 =	vmul.f32 v10, v10  }
0x43: {  	v4 =	vadd.f32 v4, v11  }
0x44: {  	s1 =	simm.s32 $0x80;
	v11 =	vadd.f32 v9, v8  }
0x45: {  	v8 =	vld [tilespmem:s1+$0x6410];
	v12 =	vperm.xlane v4, v3  }
0x46: {  	v9 =	vld [tilespmem:s1+$0x6400];
	v13 =	vperm.xlane v11, v0  }
0x47: {  	v12 =	vadd.f32 v4, v12  }
0x48: {  	v4 =	vld [tilespmem:s1+$0x6420];
	v13 =	vadd.f32 v11, v13  }
0x49: {  	v14 =	vshrl.u32 v12, $0x1;
	v16 =	vmul.f32 $5.000000000e-01, v12  }
0x4a: {  	v11 =	vld [tilespmem:s1+$0x6430];
	v17 =	vmul.f32 v8, v8;
	v15 =	vperm.xlane v13, v1;
	v14 =	vsub.s32 $0x5F3759DF, v14  }
0x4b: {  	v12 =	vmul.f32 v9, v9;
	v18 =	vmul.f32 v14, v16  }
0x4c: {  	v13 =	vadd.f32 v13, v15  }
0x4d: {  	v12 =	vadd.f32 v17, v12;
	v15 =	vmul.f32 v4, v4;
	v17 =	vmul.f32 v14, v18  }
0x4e: {  	v18 =	vperm.xlane v13, v2  }
0x4f: {  	v21 =	vmul.f32 v11, v11;
	v15 =	vadd.f32 v15, v12;
	v17 =	vsub.f32 $1.500000000e+00, v17  }
0x50: {  	s8 =	simm.s32 $0xC0;
	v13 =	vadd.f32 v13, v18  }
0x51: {  	v12 =	vld [tilespmem:s8+$0x6400];
	v15 =	vadd.f32 v21, v15;
	v17 =	vmul.f32 v14, v17  }
0x52: {  	v18 =	vperm.xlane v13, v3  }
0x53: {  	v14 =	vld [tilespmem:s8+$0x6410];
	v21 =	vperm.xlane v15, v0;
	v22 =	vmul.f32 v17, v16  }
0x54: {  	v18 =	vadd.f32 v13, v18  }
0x55: {  	v13 =	vld [tilespmem:s8+$0x6420];
	v21 =	vadd.f32 v15, v21;
	v22 =	vmul.f32 v22, v17  }
0x56: {  	v25 =	vmul.f32 v12, v12;
	v26 =	vshrl.u32 v18, $0x1;
	v27 =	vmul.f32 $5.000000000e-01, v18  }
0x57: {  	v15 =	vld [tilespmem:s8+$0x6430];
	v18 =	vperm.xlane v21, v1;
	v26 =	vsub.s32 $0x5F3759DF, v26;
	v22 =	vsub.f32 $1.500000000e+00, v22  }
0x58: {  	v28 =	vmul.f32 v14, v14;
	v29 =	vmul.f32 v26, v27  }
0x59: {  	v18 =	vadd.f32 v21, v18;
	v21 =	vmul.f32 v22, v17  }
0x5a: {  	v17 =	vadd.f32 v28, v25;
	v22 =	vmul.f32 v13, v13;
	v25 =	vmul.f32 v26, v29  }
0x5b: {  	v28 =	vperm.xlane v18, v2;
	v29 =	vmul.f32 v21, v16  }
0x5c: {  	s9 =	simm.s32 $0x100;
	v17 =	vadd.f32 v22, v17;
	v22 =	vmul.f32 v15, v15;
	v25 =	vsub.f32 $1.500000000e+00, v25  }
0x5d: {  	v16 =	vld [tilespmem:s9+$0x6400];
	v18 =	vadd.f32 v18, v28;
	v28 =	vmul.f32 v29, v21  }
0x5e: {  	v22 =	vadd.f32 v22, v17;
	v25 =	vmul.f32 v26, v25  }
0x5f: {  	v26 =	vperm.xlane v18, v3;
	v28 =	vsub.f32 $1.500000000e+00, v28  }
0x60: {  	v17 =	vld [tilespmem:s9+$0x6410];
	v29 =	vperm.xlane v22, v0;
	v30 =	vmul.f32 v25, v27  }
0x61: {  	v26 =	vadd.f32 v18, v26;
	v28 =	vmul.f32 v28, v21  }
0x62: {  	v18 =	vld [tilespmem:s9+$0x6420];
	v31 =	vmul.f32 v16, v16;
	v22 =	vadd.f32 v22, v29;
	v29 =	vmul.f32 v30, v25  }
0x63: {  	v30 =	vshrl.u32 v26, $0x1;
	v21 =	vmul.f32 $5.000000000e-01, v26;
	v26 =	vmul.f32 v28, v19  }
0x64: {  	v19 =	vld [tilespmem:s9+$0x6430];
	v32 =	vperm.xlane v22, v1;
	v30 =	vsub.s32 $0x5F3759DF, v30;
	v29 =	vsub.f32 $1.500000000e+00, v29  }
0x65: {  	v33 =	vmul.f32 v17, v17;
	v34 =	vmul.f32 v30, v21  }
0x66: {  	v20 =	vmul.f32 v28, v20;
	v32 =	vadd.f32 v22, v32;
	v22 =	vmul.f32 v29, v25  }
0x67: {  	v25 =	vadd.f32 v33, v31;
	v29 =	vmul.f32 v18, v18;
	v31 =	vmul.f32 v30, v34  }
0x68: {  	[tilespmem:s10+$0xE430] =	vst v26;
	v61 =	vperm.xlane v32, v2;
	v27 =	vmul.f32 v22, v27  }
0x69: {  	s13 =	simm.s32 $0x140;
	[tilespmem:s10+$0xE400] =	vst v20;
	v26 =	vadd.f32 v29, v25;
	v29 =	vmul.f32 v19, v19;
	v31 =	vsub.f32 $1.500000000e+00, v31  }
0x6a: {  	v63 =	vmul.f32 v28, v24;
	v20 =	vld [tilespmem:s13+$0x6400];
	v25 =	vadd.f32 v32, v61;
	v62 =	vmul.f32 v27, v22  }
0x6b: {  	v28 =	vmul.f32 v28, v23;
	v26 =	vadd.f32 v29, v26;
	v24 =	vmul.f32 v30, v31  }
0x6c: {  	s31 =	sshll.u32 s30, $0x2;
	s6 =	simm.s32 $0x600;
	[tilespmem:s10+$0xE410] =	vst v63;
	v27 =	vperm.xlane v25, v3;
	v23 =	vsub.f32 $1.500000000e+00, v62  }
.LBB2_3:
0x6d: {  	p0 =	sne.s32 s6, $0x7F00;
	v29 =	vld [tilespmem:s13+$0x6410];
	v30 =	vperm.xlane v26, v0;
	v31 =	vmul.f32 v24, v21;
	[tilespmem:s10+$0xE420] =	vst v28;
	v32 =	vmovc v4;
	v4 =	vmov v13;
	s10 =	smov.u32 s0;
	s0 =	smov.u32 s1  }
0x6e: {  	v13 =	vmov v18;
	s1 =	smov.u32 s8;
	s8 =	smov.u32 s9;
	s9 =	smov.u32 s13;
	v25 =	vadd.f32 v25, v27;
	v23 =	vmul.f32 v23, v22  }
0x6f: {  	v18 =	vld [tilespmem:s9+$0x6420];
	v27 =	vmul.f32 v20, v20;
	v22 =	vadd.f32 v26, v30;
	v26 =	vmul.f32 v31, v24  }
0x70: {  	v28 =	vshrl.u32 v25, $0x1;
	v25 =	vmul.f32 $5.000000000e-01, v25;
	v30 =	vmul.f32 v23, v10;
	v10 =	vmovc v11;
	v11 =	vmovc v15  }
0x71: {  	v15 =	vmovc v19;
	v31 =	vperm.xlane v22, v1;
	v28 =	vsub.s32 $0x5F3759DF, v28;
	v26 =	vsub.f32 $1.500000000e+00, v26;
	v19 =	vld [tilespmem:s9+$0x6430]  }
0x72: {  	v33 =	vmul.f32 v29, v29;
	v34 =	vmul.f32 v28, v25;
	[tilespmem:s10+$0xE430] =	vst v30  }
0x73: {  	v30 =	vadd.f32 v22, v31;
	v22 =	vmul.f32 v26, v24;
	v24 =	vmul.f32 v23, v7;
	v7 =	vmovc v9  }
0x74: {  	v9 =	vmovc v12;
	v26 =	vadd.f32 v33, v27;
	v27 =	vmul.f32 v18, v18;
	v31 =	vmul.f32 v28, v34  }
.Ltmp2:
0x75: {  	v12 =	vmovc v16;
	v33 =	vperm.xlane v30, v2;
	v34 =	vmul.f32 v22, v21;
	[tilespmem:s10+$0xE400] =	vst v24;
	v21 =	vmov v25;
	(pc) =	sbr.rel @p0 .LBB2_3-.Ltmp2, $4  }
0x76: {  	s13 =	sshra.s32 s6, $0x2;
	v16 =	vmovc v20;
	v24 =	vadd.f32 v27, v26;
	v26 =	vmul.f32 v19, v19;
	v27 =	vsub.f32 $1.500000000e+00, v31  }
0x77: {  	v31 =	vmul.f32 v23, v5;
	v5 =	vmovc v8;
	v20 =	vld [tilespmem:s13+$0x6400];
	v25 =	vadd.f32 v30, v33;
	v30 =	vmul.f32 v34, v22  }
0x78: {  	v8 =	vmovc v14;
	v26 =	vadd.f32 v26, v24;
	v24 =	vmul.f32 v28, v27;
	v28 =	vmul.f32 v23, v6  }
0x79: {  	s6 =	sadd.s32 $0x100, s6;
	v14 =	vmovc v17;
	v17 =	vmovc v29;
	v6 =	vmov v32;
	v27 =	vperm.xlane v25, v3;
	v23 =	vsub.f32 $1.500000000e+00, v30;
	[tilespmem:s10+$0xE410] =	vst v31  }
0x7a: {  	v29 =	vld [tilespmem:s13+$0x6410]  }
0x7b: {  	[tilespmem:s10+$0xE420] =	vst v28  }
0x7c: {  	v28 =	vld [tilespmem:s13+$0x6420];
	_ =	sdelay $0x1  }
0x7d: {  	v30 =	vld [tilespmem:s13+$0x6430]  }
0x7e: {  	v31 =	vmul.f32 v20, v20;
	v32 =	vmul.f32 v29, v29;
	_ =	sdelay $0x1  }
0x7f: {  	v51 =	vmul.f32 v28, v28;
	v31 =	vadd.f32 v32, v31  }
0x80: {  	v33 =	vperm.xlane v26, v0  }
0x81: {  	v52 =	vmul.f32 v30, v30;
	v31 =	vadd.f32 v51, v31  }
0x82: {  	v26 =	vadd.f32 v26, v33  }
0x83: {  	v31 =	vadd.f32 v52, v31  }
0x84: {  	v53 =	vperm.xlane v26, v1  }
0x85: {  	v54 =	vperm.xlane v31, v0  }
0x86: {  	v26 =	vadd.f32 v26, v53  }
0x87: {  	v31 =	vadd.f32 v31, v54  }
0x88: {  	v55 =	vperm.xlane v26, v2  }
0x89: {  	v56 =	vperm.xlane v31, v1  }
0x8a: {  	v25 =	vadd.f32 v25, v27;
	v26 =	vadd.f32 v26, v55  }
0x8b: {  	v58 =	vadd.f32 v31, v56  }
0x8c: {  	v57 =	vshrl.u32 v25, $0x1;
	v25 =	vmul.f32 $5.000000000e-01, v25;
	v60 =	vperm.xlane v26, v3  }
0x8d: {  	v33 =	vsub.s32 $0x5F3759DF, v57;
	v34 =	vperm.xlane v58, v2  }
0x8e: {  	v59 =	vmul.f32 v33, v25;
	v26 =	vadd.f32 v26, v60  }
0x8f: {  	v27 =	vadd.f32 v58, v34  }
0x90: {  	v32 =	vshrl.u32 v26, $0x1;
	v26 =	vmul.f32 $5.000000000e-01, v26;
	v31 =	vmul.f32 v33, v59  }
0x91: {  	v32 =	vsub.s32 $0x5F3759DF, v32;
	v34 =	vperm.xlane v27, v3  }
0x92: {  	v61 =	vmul.f32 v32, v26;
	v31 =	vsub.f32 $1.500000000e+00, v31  }
0x93: {  	v35 =	vmul.f32 v24, v21;
	v27 =	vadd.f32 v27, v34  }
0x94: {  	v31 =	vmul.f32 v33, v31;
	v33 =	vmul.f32 v32, v61  }
0x95: {  	v62 =	vmul.f32 v35, v24;
	v36 =	vshrl.u32 v27, $0x1;
	v27 =	vmul.f32 $5.000000000e-01, v27  }
0x96: {  	v63 =	vmul.f32 v31, v25;
	v33 =	vsub.f32 $1.500000000e+00, v33;
	v36 =	vsub.s32 $0x5F3759DF, v36  }
0x97: {  	v22 =	vmul.f32 v23, v22;
	v34 =	vsub.f32 $1.500000000e+00, v62;
	v37 =	vmul.f32 v36, v27  }
0x98: {  	v35 =	vmul.f32 v63, v31;
	v32 =	vmul.f32 v32, v33  }
0x99: {  	v40 =	vmul.f32 v34, v24;
	v42 =	vmul.f32 v36, v37  }
0x9a: {  	v41 =	vsub.f32 $1.500000000e+00, v35;
	v45 =	vmul.f32 v32, v26  }
0x9b: {  	v10 =	vmul.f32 v22, v10;
	v43 =	vmul.f32 v40, v21;
	v46 =	vsub.f32 $1.500000000e+00, v42  }
0x9c: {  	v44 =	vmul.f32 v41, v31;
	v31 =	vmul.f32 v45, v32  }
0x9d: {  	v21 =	vmul.f32 v43, v40;
	v33 =	vmul.f32 v36, v46  }
0x9e: {  	v7 =	vmul.f32 v22, v7;
	v25 =	vmul.f32 v44, v25;
	v31 =	vsub.f32 $1.500000000e+00, v31  }
0x9f: {  	v5 =	vmul.f32 v22, v5;
	v21 =	vsub.f32 $1.500000000e+00, v21;
	v47 =	vmul.f32 v33, v27  }
0xa0: {  	v48 =	vmul.f32 v25, v44;
	v49 =	vmul.f32 v31, v32  }
0xa1: {  	[tilespmem:s0+$0xE430] =	vst v10;
	v21 =	vmul.f32 v21, v40;
	v50 =	vmul.f32 v47, v33  }
0xa2: {  	v6 =	vmul.f32 v22, v6;
	[tilespmem:s0+$0xE400] =	vst v7;
	v52 =	vsub.f32 $1.500000000e+00, v48;
	v53 =	vmul.f32 v49, v26  }
0xa3: {  	[tilespmem:s0+$0xE410] =	vst v5;
	v51 =	vmul.f32 v21, v11;
	v5 =	vmul.f32 v21, v9;
	v54 =	vsub.f32 $1.500000000e+00, v50  }
0xa4: {  	[tilespmem:s0+$0xE420] =	vst v6;
	v55 =	vmul.f32 v21, v8;
	v56 =	vmul.f32 v52, v44  }
0xa5: {  	v57 =	vmul.f32 v53, v49;
	[tilespmem:s1+$0xE430] =	vst v51;
	v58 =	vmul.f32 v54, v33  }
0xa6: {  	v4 =	vmul.f32 v21, v4;
	[tilespmem:s1+$0xE400] =	vst v5  }
0xa7: {  	[tilespmem:s1+$0xE410] =	vst v55;
	v5 =	vmul.f32 v56, v15;
	v59 =	vsub.f32 $1.500000000e+00, v57;
	v60 =	vmul.f32 v58, v27  }
0xa8: {  	[tilespmem:s1+$0xE420] =	vst v4;
	v4 =	vmul.f32 v56, v12;
	v11 =	vmul.f32 v56, v14  }
0xa9: {  	[tilespmem:s8+$0xE430] =	vst v5;
	v5 =	vmul.f32 v59, v49;
	v61 =	vmul.f32 v60, v58  }
0xaa: {  	[tilespmem:s8+$0xE400] =	vst v4;
	v4 =	vmul.f32 v56, v13  }
0xab: {  	[tilespmem:s8+$0xE410] =	vst v11;
	v62 =	vmul.f32 v5, v19;
	v6 =	vsub.f32 $1.500000000e+00, v61  }
0xac: {  	[tilespmem:s8+$0xE420] =	vst v4;
	v4 =	vmul.f32 v5, v16  }
0xad: {  	v63 =	vmul.f32 v5, v17;
	[tilespmem:s9+$0xE430] =	vst v62;
	v6 =	vmul.f32 v6, v58  }
0xae: {  	[tilespmem:s9+$0xE400] =	vst v4;
	v4 =	vmul.f32 v5, v18  }
0xaf: {  	[tilespmem:s9+$0xE410] =	vst v63;
	v5 =	vmul.f32 v6, v30  }
0xb0: {  	[tilespmem:s9+$0xE420] =	vst v4;
	v4 =	vmul.f32 v6, v20  }
0xb1: {  	[tilespmem:s13+$0xE430] =	vst v5;
	v5 =	vmul.f32 v6, v29  }
0xb2: {  	s14 =	sadd.s32 s5, s31;
	p0 =	seq.s32 s30, $0x31;
	[tilespmem:s13+$0xE400] =	vst v4;
	v4 =	vmul.f32 v6, v28  }
0xb3: {  	p1 =	seq.s32 @!p0 s30, $0x0;
	s0 =	sshll.u32 s14, $0xA;
	[tilespmem:s13+$0xE410] =	vst v5  }
0xb4: {  	p1 =	por p0, !p1;
	s0 =	sadd.s32 s2, s0;
	[tilespmem:s13+$0xE420] =	vst v4  }
0xb5: {  	[hbm4b:s0+s3] =	stream.linear.scatter [tilespmem:s17], [sflag:$0x5], $0x2000, $0x38;
	[tilespmem:$0x16400] =	vst v63  }
.Ltmp3:
0xb6: {  	s0 =	sshll.u32 @!p0 s30, $0x9;
	(pc) =	sbr.rel @!p1 .LBB2_6-.Ltmp3, $4  }
0xb7: {  	s1 =	sand.u32 @!p0 $0x3FFFFE00, s0  }
0xb8: {  	s6 =	simm.s32 @!p0 $0x80;
	s8 =	simm.s32 @!p0 $0x6400;
	s0 =	sadd.s32 @!p0 $0x200, s1  }
0xb9: {  	[tilespmem:s8], [sflag:$0x1] =	stream.indirect.gather @!p0 [hbm4b:s4+s6], $0x40, s0, s6, $0xb8;
	[tilespmem:$0x16400] =	vst v63  }
0xba: {  	s0 =	sor.u32 @!p0 $0x1, s31  }
0xbb: {  	_ =	swait.ge [sflag:s25], $0x2000  }
0xbc: {  	[sflag:s25] =	ssyncset.done $0x0  }
0xbd: {  	s0 =	simm.s32 @p0 $0xC5;
	[sflag:s25] =	ssyncadd.s32 $0xFFFFE000  }
.LBB2_6:
0xbe: {  	_ =	swait.ge [sflag:s18], $0x2000  }
0xbf: {  	[sflag:s18] =	ssyncset.done $0x0  }
0xc0: {  	s14 =	simm.s32 $0x0;
	[sflag:s18] =	ssyncadd.s32 $0xFFFFE000  }
0xc1: {  	v20 =	vld [tilespmem:s14+$0x8400]  }
0xc2: {  	v24 =	vld [tilespmem:s14+$0x8410];
	_ =	sdelay $0x1  }
0xc3: {  	v23 =	vld [tilespmem:s14+$0x8420];
	_ =	sdelay $0x1  }
0xc4: {  	v19 =	vld [tilespmem:s14+$0x8430]  }
0xc5: {  	v4 =	vmul.f32 v20, v20;
	v5 =	vmul.f32 v24, v24;
	_ =	sdelay $0x1  }
0xc6: {  	v4 =	vadd.f32 v5, v4;
	v5 =	vmul.f32 v23, v23;
	_ =	sdelay $0x1  }
0xc7: {  	v4 =	vadd.f32 v5, v4;
	v5 =	vmul.f32 v19, v19;
	_ =	sdelay $0x1  }
0xc8: {  	s8 =	simm.s32 $0x40;
	v4 =	vadd.f32 v5, v4  }
0xc9: {  	v7 =	vld [tilespmem:s8+$0x8400]  }
0xca: {  	v5 =	vld [tilespmem:s8+$0x8410];
	v8 =	vperm.xlane v4, v0;
	_ =	sdelay $0x1  }
0xcb: {  	v6 =	vld [tilespmem:s8+$0x8420];
	v4 =	vadd.f32 v4, v8;
	_ =	sdelay $0x1  }
0xcc: {  	v10 =	vld [tilespmem:s8+$0x8430];
	v8 =	vperm.xlane v4, v1  }
0xcd: {  	v9 =	vmul.f32 v7, v7;
	v11 =	vmul.f32 v5, v5  }
0xce: {  	v4 =	vadd.f32 v4, v8  }
0xcf: {  	v8 =	vadd.f32 v11, v9;
	v9 =	vmul.f32 v6, v6  }
0xd0: {  	v11 =	vperm.xlane v4, v2  }
0xd1: {  	v8 =	vadd.f32 v9, v8;
	v9 =	vmul.f32 v10, v10  }
0xd2: {  	v4 =	vadd.f32 v4, v11  }
0xd3: {  	s9 =	simm.s32 $0x80;
	v11 =	vadd.f32 v9, v8  }
0xd4: {  	v8 =	vld [tilespmem:s9+$0x8410];
	v12 =	vperm.xlane v4, v3  }
0xd5: {  	v9 =	vld [tilespmem:s9+$0x8400];
	v13 =	vperm.xlane v11, v0  }
0xd6: {  	v12 =	vadd.f32 v4, v12  }
0xd7: {  	v4 =	vld [tilespmem:s9+$0x8420];
	v13 =	vadd.f32 v11, v13  }
0xd8: {  	v14 =	vshrl.u32 v12, $0x1;
	v16 =	vmul.f32 $5.000000000e-01, v12  }
0xd9: {  	v11 =	vld [tilespmem:s9+$0x8430];
	v17 =	vmul.f32 v8, v8;
	v15 =	vperm.xlane v13, v1;
	v14 =	vsub.s32 $0x5F3759DF, v14  }
0xda: {  	v12 =	vmul.f32 v9, v9;
	v18 =	vmul.f32 v14, v16  }
0xdb: {  	v13 =	vadd.f32 v13, v15  }
0xdc: {  	v12 =	vadd.f32 v17, v12;
	v15 =	vmul.f32 v4, v4;
	v17 =	vmul.f32 v14, v18  }
0xdd: {  	v18 =	vperm.xlane v13, v2  }
0xde: {  	v21 =	vmul.f32 v11, v11;
	v15 =	vadd.f32 v15, v12;
	v17 =	vsub.f32 $1.500000000e+00, v17  }
0xdf: {  	s10 =	simm.s32 $0xC0;
	v13 =	vadd.f32 v13, v18  }
0xe0: {  	v12 =	vld [tilespmem:s10+$0x8400];
	v15 =	vadd.f32 v21, v15;
	v17 =	vmul.f32 v14, v17  }
0xe1: {  	v18 =	vperm.xlane v13, v3  }
0xe2: {  	v14 =	vld [tilespmem:s10+$0x8410];
	v21 =	vperm.xlane v15, v0;
	v22 =	vmul.f32 v17, v16  }
0xe3: {  	v18 =	vadd.f32 v13, v18  }
0xe4: {  	v13 =	vld [tilespmem:s10+$0x8420];
	v21 =	vadd.f32 v15, v21;
	v22 =	vmul.f32 v22, v17  }
0xe5: {  	v25 =	vmul.f32 v12, v12;
	v26 =	vshrl.u32 v18, $0x1;
	v27 =	vmul.f32 $5.000000000e-01, v18  }
0xe6: {  	v15 =	vld [tilespmem:s10+$0x8430];
	v18 =	vperm.xlane v21, v1;
	v26 =	vsub.s32 $0x5F3759DF, v26;
	v22 =	vsub.f32 $1.500000000e+00, v22  }
0xe7: {  	v28 =	vmul.f32 v14, v14;
	v29 =	vmul.f32 v26, v27  }
0xe8: {  	v18 =	vadd.f32 v21, v18;
	v21 =	vmul.f32 v22, v17  }
0xe9: {  	v17 =	vadd.f32 v28, v25;
	v22 =	vmul.f32 v13, v13;
	v25 =	vmul.f32 v26, v29  }
0xea: {  	v28 =	vperm.xlane v18, v2;
	v29 =	vmul.f32 v21, v16  }
0xeb: {  	s13 =	simm.s32 $0x100;
	v17 =	vadd.f32 v22, v17;
	v22 =	vmul.f32 v15, v15;
	v25 =	vsub.f32 $1.500000000e+00, v25  }
0xec: {  	v16 =	vld [tilespmem:s13+$0x8400];
	v18 =	vadd.f32 v18, v28;
	v28 =	vmul.f32 v29, v21  }
0xed: {  	v22 =	vadd.f32 v22, v17;
	v25 =	vmul.f32 v26, v25  }
0xee: {  	v26 =	vperm.xlane v18, v3;
	v28 =	vsub.f32 $1.500000000e+00, v28  }
0xef: {  	v17 =	vld [tilespmem:s13+$0x8410];
	v29 =	vperm.xlane v22, v0;
	v30 =	vmul.f32 v25, v27  }
0xf0: {  	v26 =	vadd.f32 v18, v26;
	v28 =	vmul.f32 v28, v21  }
0xf1: {  	v18 =	vld [tilespmem:s13+$0x8420];
	v31 =	vmul.f32 v16, v16;
	v22 =	vadd.f32 v22, v29;
	v29 =	vmul.f32 v30, v25  }
0xf2: {  	v30 =	vshrl.u32 v26, $0x1;
	v21 =	vmul.f32 $5.000000000e-01, v26;
	v26 =	vmul.f32 v28, v19  }
0xf3: {  	v19 =	vld [tilespmem:s13+$0x8430];
	v32 =	vperm.xlane v22, v1;
	v30 =	vsub.s32 $0x5F3759DF, v30;
	v29 =	vsub.f32 $1.500000000e+00, v29  }
0xf4: {  	v33 =	vmul.f32 v17, v17;
	v34 =	vmul.f32 v30, v21  }
0xf5: {  	v20 =	vmul.f32 v28, v20;
	v32 =	vadd.f32 v22, v32;
	v22 =	vmul.f32 v29, v25  }
0xf6: {  	v25 =	vadd.f32 v33, v31;
	v29 =	vmul.f32 v18, v18;
	v31 =	vmul.f32 v30, v34  }
0xf7: {  	[tilespmem:s14+$0x10430] =	vst v26;
	v61 =	vperm.xlane v32, v2;
	v27 =	vmul.f32 v22, v27  }
0xf8: {  	s6 =	simm.s32 $0x140;
	[tilespmem:s14+$0x10400] =	vst v20;
	v26 =	vadd.f32 v29, v25;
	v29 =	vmul.f32 v19, v19;
	v31 =	vsub.f32 $1.500000000e+00, v31  }
0xf9: {  	v63 =	vmul.f32 v28, v24;
	v20 =	vld [tilespmem:s6+$0x8400];
	v25 =	vadd.f32 v32, v61;
	v62 =	vmul.f32 v27, v22  }
0xfa: {  	v28 =	vmul.f32 v28, v23;
	v26 =	vadd.f32 v29, v26;
	v24 =	vmul.f32 v30, v31  }
0xfb: {  	s11 =	simm.s32 $0x600;
	[tilespmem:s14+$0x10410] =	vst v63;
	v27 =	vperm.xlane v25, v3;
	v23 =	vsub.f32 $1.500000000e+00, v62  }
.LBB2_7:
0xfc: {  	p2 =	sne.s32 s11, $0x7F00;
	v29 =	vld [tilespmem:s6+$0x8410];
	v30 =	vperm.xlane v26, v0;
	v31 =	vmul.f32 v24, v21;
	[tilespmem:s14+$0x10420] =	vst v28;
	v32 =	vmovc v4;
	v4 =	vmov v13;
	s14 =	smov.u32 s8;
	s8 =	smov.u32 s9  }
0xfd: {  	v13 =	vmov v18;
	s9 =	smov.u32 s10;
	s10 =	smov.u32 s13;
	s13 =	smov.u32 s6;
	v25 =	vadd.f32 v25, v27;
	v23 =	vmul.f32 v23, v22  }
0xfe: {  	v18 =	vld [tilespmem:s13+$0x8420];
	v27 =	vmul.f32 v20, v20;
	v22 =	vadd.f32 v26, v30;
	v26 =	vmul.f32 v31, v24  }
0xff: {  	v28 =	vshrl.u32 v25, $0x1;
	v25 =	vmul.f32 $5.000000000e-01, v25;
	v30 =	vmul.f32 v23, v10;
	v10 =	vmovc v11;
	v11 =	vmovc v15  }
0x100: {  	v15 =	vmovc v19;
	v31 =	vperm.xlane v22, v1;
	v28 =	vsub.s32 $0x5F3759DF, v28;
	v26 =	vsub.f32 $1.500000000e+00, v26;
	v19 =	vld [tilespmem:s13+$0x8430]  }
0x101: {  	v33 =	vmul.f32 v29, v29;
	v34 =	vmul.f32 v28, v25;
	[tilespmem:s14+$0x10430] =	vst v30  }
0x102: {  	v30 =	vadd.f32 v22, v31;
	v22 =	vmul.f32 v26, v24;
	v24 =	vmul.f32 v23, v7;
	v7 =	vmovc v9  }
0x103: {  	v9 =	vmovc v12;
	v26 =	vadd.f32 v33, v27;
	v27 =	vmul.f32 v18, v18;
	v31 =	vmul.f32 v28, v34  }
.Ltmp4:
0x104: {  	v12 =	vmovc v16;
	v33 =	vperm.xlane v30, v2;
	v34 =	vmul.f32 v22, v21;
	[tilespmem:s14+$0x10400] =	vst v24;
	v21 =	vmov v25;
	(pc) =	sbr.rel @p2 .LBB2_7-.Ltmp4, $4  }
0x105: {  	s6 =	sshra.s32 s11, $0x2;
	v16 =	vmovc v20;
	v24 =	vadd.f32 v27, v26;
	v26 =	vmul.f32 v19, v19;
	v27 =	vsub.f32 $1.500000000e+00, v31  }
0x106: {  	v31 =	vmul.f32 v23, v5;
	v5 =	vmovc v8;
	v20 =	vld [tilespmem:s6+$0x8400];
	v25 =	vadd.f32 v30, v33;
	v30 =	vmul.f32 v34, v22  }
0x107: {  	v8 =	vmovc v14;
	v26 =	vadd.f32 v26, v24;
	v24 =	vmul.f32 v28, v27;
	v28 =	vmul.f32 v23, v6  }
0x108: {  	s11 =	sadd.s32 $0x100, s11;
	v14 =	vmovc v17;
	v17 =	vmovc v29;
	v6 =	vmov v32;
	v27 =	vperm.xlane v25, v3;
	v23 =	vsub.f32 $1.500000000e+00, v30;
	[tilespmem:s14+$0x10410] =	vst v31  }
0x109: {  	v29 =	vld [tilespmem:s6+$0x8410]  }
0x10a: {  	[tilespmem:s14+$0x10420] =	vst v28  }
0x10b: {  	v28 =	vld [tilespmem:s6+$0x8420];
	_ =	sdelay $0x1  }
0x10c: {  	v30 =	vld [tilespmem:s6+$0x8430]  }
0x10d: {  	v31 =	vmul.f32 v20, v20;
	v32 =	vmul.f32 v29, v29;
	_ =	sdelay $0x1  }
0x10e: {  	v51 =	vmul.f32 v28, v28;
	v31 =	vadd.f32 v32, v31  }
0x10f: {  	v33 =	vperm.xlane v26, v0  }
0x110: {  	v52 =	vmul.f32 v30, v30;
	v31 =	vadd.f32 v51, v31  }
0x111: {  	v26 =	vadd.f32 v26, v33  }
0x112: {  	v31 =	vadd.f32 v52, v31  }
0x113: {  	v53 =	vperm.xlane v26, v1  }
0x114: {  	v54 =	vperm.xlane v31, v0  }
0x115: {  	v26 =	vadd.f32 v26, v53  }
0x116: {  	v31 =	vadd.f32 v31, v54  }
0x117: {  	v55 =	vperm.xlane v26, v2  }
0x118: {  	v56 =	vperm.xlane v31, v1  }
0x119: {  	v25 =	vadd.f32 v25, v27;
	v26 =	vadd.f32 v26, v55  }
0x11a: {  	v58 =	vadd.f32 v31, v56  }
0x11b: {  	v57 =	vshrl.u32 v25, $0x1;
	v25 =	vmul.f32 $5.000000000e-01, v25;
	v60 =	vperm.xlane v26, v3  }
0x11c: {  	v33 =	vsub.s32 $0x5F3759DF, v57;
	v34 =	vperm.xlane v58, v2  }
0x11d: {  	v59 =	vmul.f32 v33, v25;
	v26 =	vadd.f32 v26, v60  }
0x11e: {  	v27 =	vadd.f32 v58, v34  }
0x11f: {  	v32 =	vshrl.u32 v26, $0x1;
	v26 =	vmul.f32 $5.000000000e-01, v26;
	v31 =	vmul.f32 v33, v59  }
0x120: {  	v32 =	vsub.s32 $0x5F3759DF, v32;
	v34 =	vperm.xlane v27, v3  }
0x121: {  	v61 =	vmul.f32 v32, v26;
	v31 =	vsub.f32 $1.500000000e+00, v31  }
0x122: {  	v35 =	vmul.f32 v24, v21;
	v27 =	vadd.f32 v27, v34  }
0x123: {  	v31 =	vmul.f32 v33, v31;
	v33 =	vmul.f32 v32, v61  }
0x124: {  	v62 =	vmul.f32 v35, v24;
	v36 =	vshrl.u32 v27, $0x1;
	v27 =	vmul.f32 $5.000000000e-01, v27  }
0x125: {  	v63 =	vmul.f32 v31, v25;
	v33 =	vsub.f32 $1.500000000e+00, v33;
	v36 =	vsub.s32 $0x5F3759DF, v36  }
0x126: {  	v22 =	vmul.f32 v23, v22;
	v34 =	vsub.f32 $1.500000000e+00, v62;
	v37 =	vmul.f32 v36, v27  }
0x127: {  	v35 =	vmul.f32 v63, v31;
	v32 =	vmul.f32 v32, v33  }
0x128: {  	v40 =	vmul.f32 v34, v24;
	v42 =	vmul.f32 v36, v37  }
0x129: {  	v41 =	vsub.f32 $1.500000000e+00, v35;
	v45 =	vmul.f32 v32, v26  }
0x12a: {  	v10 =	vmul.f32 v22, v10;
	v43 =	vmul.f32 v40, v21;
	v46 =	vsub.f32 $1.500000000e+00, v42  }
0x12b: {  	v44 =	vmul.f32 v41, v31;
	v31 =	vmul.f32 v45, v32  }
0x12c: {  	v21 =	vmul.f32 v43, v40;
	v33 =	vmul.f32 v36, v46  }
0x12d: {  	v7 =	vmul.f32 v22, v7;
	v25 =	vmul.f32 v44, v25;
	v31 =	vsub.f32 $1.500000000e+00, v31  }
0x12e: {  	v5 =	vmul.f32 v22, v5;
	v21 =	vsub.f32 $1.500000000e+00, v21;
	v47 =	vmul.f32 v33, v27  }
0x12f: {  	v48 =	vmul.f32 v25, v44;
	v49 =	vmul.f32 v31, v32  }
0x130: {  	[tilespmem:s8+$0x10430] =	vst v10;
	v21 =	vmul.f32 v21, v40;
	v50 =	vmul.f32 v47, v33  }
0x131: {  	v6 =	vmul.f32 v22, v6;
	[tilespmem:s8+$0x10400] =	vst v7;
	v52 =	vsub.f32 $1.500000000e+00, v48;
	v53 =	vmul.f32 v49, v26  }
0x132: {  	[tilespmem:s8+$0x10410] =	vst v5;
	v51 =	vmul.f32 v21, v11;
	v5 =	vmul.f32 v21, v9;
	v54 =	vsub.f32 $1.500000000e+00, v50  }
0x133: {  	[tilespmem:s8+$0x10420] =	vst v6;
	v55 =	vmul.f32 v21, v8;
	v56 =	vmul.f32 v52, v44  }
0x134: {  	v57 =	vmul.f32 v53, v49;
	[tilespmem:s9+$0x10430] =	vst v51;
	v58 =	vmul.f32 v54, v33  }
0x135: {  	v4 =	vmul.f32 v21, v4;
	[tilespmem:s9+$0x10400] =	vst v5  }
0x136: {  	[tilespmem:s9+$0x10410] =	vst v55;
	v5 =	vmul.f32 v56, v15;
	v59 =	vsub.f32 $1.500000000e+00, v57;
	v60 =	vmul.f32 v58, v27  }
0x137: {  	[tilespmem:s9+$0x10420] =	vst v4;
	v4 =	vmul.f32 v56, v12;
	v11 =	vmul.f32 v56, v14  }
0x138: {  	[tilespmem:s10+$0x10430] =	vst v5;
	v5 =	vmul.f32 v59, v49;
	v61 =	vmul.f32 v60, v58  }
0x139: {  	[tilespmem:s10+$0x10400] =	vst v4;
	v4 =	vmul.f32 v56, v13  }
0x13a: {  	[tilespmem:s10+$0x10410] =	vst v11;
	v62 =	vmul.f32 v5, v19;
	v6 =	vsub.f32 $1.500000000e+00, v61  }
0x13b: {  	[tilespmem:s10+$0x10420] =	vst v4;
	v4 =	vmul.f32 v5, v16  }
0x13c: {  	v63 =	vmul.f32 v5, v17;
	[tilespmem:s13+$0x10430] =	vst v62;
	v6 =	vmul.f32 v6, v58  }
0x13d: {  	[tilespmem:s13+$0x10400] =	vst v4;
	v4 =	vmul.f32 v5, v18  }
0x13e: {  	[tilespmem:s13+$0x10410] =	vst v63;
	v5 =	vmul.f32 v6, v30  }
0x13f: {  	[tilespmem:s13+$0x10420] =	vst v4;
	v4 =	vmul.f32 v6, v20  }
0x140: {  	s0 =	sadd.s32 s5, s0;
	[tilespmem:s6+$0x10430] =	vst v5;
	v5 =	vmul.f32 v6, v29  }
0x141: {  	s0 =	sshll.u32 s0, $0xA;
	[tilespmem:s6+$0x10400] =	vst v4;
	v4 =	vmul.f32 v6, v28  }
0x142: {  	s0 =	sand.u32 $0x1FFFF400, s0;
	[tilespmem:s6+$0x10410] =	vst v5  }
.Ltmp5:
0x143: {  	s0 =	sadd.s32 s2, s0;
	[tilespmem:s6+$0x10420] =	vst v4;
	(pc) =	sbr.rel @!p1 .LBB2_10-.Ltmp5, $4  }
0x144: {  	[hbm4b:s0+s3] =	stream.linear.scatter [tilespmem:s19], [sflag:$0x6], $0x2000, $0x38;
	[tilespmem:$0x16400] =	vst v63  }
0x145: {  	s8 =	simm.s32 @!p0 $0x8400;
	s6 =	simm.s32 @!p0 $0x80;
	s0 =	sadd.s32 @!p0 $0x280, s1  }
0x146: {  	[tilespmem:s8], [sflag:$0x2] =	stream.indirect.gather @!p0 [hbm4b:s4+s6], $0x40, s0, s6, $0xb8;
	[tilespmem:$0x16400] =	vst v63  }
0x147: {  	s0 =	sor.u32 @!p0 $0x2, s31  }
0x148: {  	_ =	swait.ge [sflag:s26], $0x2000  }
0x149: {  	[sflag:s26] =	ssyncset.done $0x0  }
0x14a: {  	s0 =	simm.s32 @p0 $0xC6;
	[sflag:s26] =	ssyncadd.s32 $0xFFFFE000  }
.LBB2_10:
0x14b: {  	_ =	swait.ge [sflag:s20], $0x2000  }
0x14c: {  	[sflag:s20] =	ssyncset.done $0x0  }
0x14d: {  	s14 =	simm.s32 $0x0;
	[sflag:s20] =	ssyncadd.s32 $0xFFFFE000  }
0x14e: {  	v20 =	vld [tilespmem:s14+$0xA400]  }
0x14f: {  	v24 =	vld [tilespmem:s14+$0xA410];
	_ =	sdelay $0x1  }
0x150: {  	v23 =	vld [tilespmem:s14+$0xA420];
	_ =	sdelay $0x1  }
0x151: {  	v19 =	vld [tilespmem:s14+$0xA430]  }
0x152: {  	v4 =	vmul.f32 v20, v20;
	v5 =	vmul.f32 v24, v24;
	_ =	sdelay $0x1  }
0x153: {  	v4 =	vadd.f32 v5, v4;
	v5 =	vmul.f32 v23, v23;
	_ =	sdelay $0x1  }
0x154: {  	v4 =	vadd.f32 v5, v4;
	v5 =	vmul.f32 v19, v19;
	_ =	sdelay $0x1  }
0x155: {  	s8 =	simm.s32 $0x40;
	v4 =	vadd.f32 v5, v4  }
0x156: {  	v7 =	vld [tilespmem:s8+$0xA400]  }
0x157: {  	v5 =	vld [tilespmem:s8+$0xA410];
	v8 =	vperm.xlane v4, v0;
	_ =	sdelay $0x1  }
0x158: {  	v6 =	vld [tilespmem:s8+$0xA420];
	v4 =	vadd.f32 v4, v8;
	_ =	sdelay $0x1  }
0x159: {  	v10 =	vld [tilespmem:s8+$0xA430];
	v8 =	vperm.xlane v4, v1  }
0x15a: {  	v9 =	vmul.f32 v7, v7;
	v11 =	vmul.f32 v5, v5  }
0x15b: {  	v4 =	vadd.f32 v4, v8  }
0x15c: {  	v8 =	vadd.f32 v11, v9;
	v9 =	vmul.f32 v6, v6  }
0x15d: {  	v11 =	vperm.xlane v4, v2  }
0x15e: {  	v8 =	vadd.f32 v9, v8;
	v9 =	vmul.f32 v10, v10  }
0x15f: {  	v4 =	vadd.f32 v4, v11  }
0x160: {  	s9 =	simm.s32 $0x80;
	v11 =	vadd.f32 v9, v8  }
0x161: {  	v8 =	vld [tilespmem:s9+$0xA410];
	v12 =	vperm.xlane v4, v3  }
0x162: {  	v9 =	vld [tilespmem:s9+$0xA400];
	v13 =	vperm.xlane v11, v0  }
0x163: {  	v12 =	vadd.f32 v4, v12  }
0x164: {  	v4 =	vld [tilespmem:s9+$0xA420];
	v13 =	vadd.f32 v11, v13  }
0x165: {  	v14 =	vshrl.u32 v12, $0x1;
	v16 =	vmul.f32 $5.000000000e-01, v12  }
0x166: {  	v11 =	vld [tilespmem:s9+$0xA430];
	v17 =	vmul.f32 v8, v8;
	v15 =	vperm.xlane v13, v1;
	v14 =	vsub.s32 $0x5F3759DF, v14  }
0x167: {  	v12 =	vmul.f32 v9, v9;
	v18 =	vmul.f32 v14, v16  }
0x168: {  	v13 =	vadd.f32 v13, v15  }
0x169: {  	v12 =	vadd.f32 v17, v12;
	v15 =	vmul.f32 v4, v4;
	v17 =	vmul.f32 v14, v18  }
0x16a: {  	v18 =	vperm.xlane v13, v2  }
0x16b: {  	v21 =	vmul.f32 v11, v11;
	v15 =	vadd.f32 v15, v12;
	v17 =	vsub.f32 $1.500000000e+00, v17  }
0x16c: {  	s10 =	simm.s32 $0xC0;
	v13 =	vadd.f32 v13, v18  }
0x16d: {  	v12 =	vld [tilespmem:s10+$0xA400];
	v15 =	vadd.f32 v21, v15;
	v17 =	vmul.f32 v14, v17  }
0x16e: {  	v18 =	vperm.xlane v13, v3  }
0x16f: {  	v14 =	vld [tilespmem:s10+$0xA410];
	v21 =	vperm.xlane v15, v0;
	v22 =	vmul.f32 v17, v16  }
0x170: {  	v18 =	vadd.f32 v13, v18  }
0x171: {  	v13 =	vld [tilespmem:s10+$0xA420];
	v21 =	vadd.f32 v15, v21;
	v22 =	vmul.f32 v22, v17  }
0x172: {  	v25 =	vmul.f32 v12, v12;
	v26 =	vshrl.u32 v18, $0x1;
	v27 =	vmul.f32 $5.000000000e-01, v18  }
0x173: {  	v15 =	vld [tilespmem:s10+$0xA430];
	v18 =	vperm.xlane v21, v1;
	v26 =	vsub.s32 $0x5F3759DF, v26;
	v22 =	vsub.f32 $1.500000000e+00, v22  }
0x174: {  	v28 =	vmul.f32 v14, v14;
	v29 =	vmul.f32 v26, v27  }
0x175: {  	v18 =	vadd.f32 v21, v18;
	v21 =	vmul.f32 v22, v17  }
0x176: {  	v17 =	vadd.f32 v28, v25;
	v22 =	vmul.f32 v13, v13;
	v25 =	vmul.f32 v26, v29  }
0x177: {  	v28 =	vperm.xlane v18, v2;
	v29 =	vmul.f32 v21, v16  }
0x178: {  	s13 =	simm.s32 $0x100;
	v17 =	vadd.f32 v22, v17;
	v22 =	vmul.f32 v15, v15;
	v25 =	vsub.f32 $1.500000000e+00, v25  }
0x179: {  	v16 =	vld [tilespmem:s13+$0xA400];
	v18 =	vadd.f32 v18, v28;
	v28 =	vmul.f32 v29, v21  }
0x17a: {  	v22 =	vadd.f32 v22, v17;
	v25 =	vmul.f32 v26, v25  }
0x17b: {  	v26 =	vperm.xlane v18, v3;
	v28 =	vsub.f32 $1.500000000e+00, v28  }
0x17c: {  	v17 =	vld [tilespmem:s13+$0xA410];
	v29 =	vperm.xlane v22, v0;
	v30 =	vmul.f32 v25, v27  }
0x17d: {  	v26 =	vadd.f32 v18, v26;
	v28 =	vmul.f32 v28, v21  }
0x17e: {  	v18 =	vld [tilespmem:s13+$0xA420];
	v31 =	vmul.f32 v16, v16;
	v22 =	vadd.f32 v22, v29;
	v29 =	vmul.f32 v30, v25  }
0x17f: {  	v30 =	vshrl.u32 v26, $0x1;
	v21 =	vmul.f32 $5.000000000e-01, v26;
	v26 =	vmul.f32 v28, v19  }
0x180: {  	v19 =	vld [tilespmem:s13+$0xA430];
	v32 =	vperm.xlane v22, v1;
	v30 =	vsub.s32 $0x5F3759DF, v30;
	v29 =	vsub.f32 $1.500000000e+00, v29  }
0x181: {  	v33 =	vmul.f32 v17, v17;
	v34 =	vmul.f32 v30, v21  }
0x182: {  	v20 =	vmul.f32 v28, v20;
	v32 =	vadd.f32 v22, v32;
	v22 =	vmul.f32 v29, v25  }
0x183: {  	v25 =	vadd.f32 v33, v31;
	v29 =	vmul.f32 v18, v18;
	v31 =	vmul.f32 v30, v34  }
0x184: {  	[tilespmem:s14+$0x12430] =	vst v26;
	v61 =	vperm.xlane v32, v2;
	v27 =	vmul.f32 v22, v27  }
0x185: {  	s6 =	simm.s32 $0x140;
	[tilespmem:s14+$0x12400] =	vst v20;
	v26 =	vadd.f32 v29, v25;
	v29 =	vmul.f32 v19, v19;
	v31 =	vsub.f32 $1.500000000e+00, v31  }
0x186: {  	v63 =	vmul.f32 v28, v24;
	v20 =	vld [tilespmem:s6+$0xA400];
	v25 =	vadd.f32 v32, v61;
	v62 =	vmul.f32 v27, v22  }
0x187: {  	v28 =	vmul.f32 v28, v23;
	v26 =	vadd.f32 v29, v26;
	v24 =	vmul.f32 v30, v31  }
0x188: {  	s11 =	simm.s32 $0x600;
	[tilespmem:s14+$0x12410] =	vst v63;
	v27 =	vperm.xlane v25, v3;
	v23 =	vsub.f32 $1.500000000e+00, v62  }
.LBB2_11:
0x189: {  	p2 =	sne.s32 s11, $0x7F00;
	v29 =	vld [tilespmem:s6+$0xA410];
	v30 =	vperm.xlane v26, v0;
	v31 =	vmul.f32 v24, v21;
	[tilespmem:s14+$0x12420] =	vst v28;
	v32 =	vmovc v4;
	v4 =	vmov v13;
	s14 =	smov.u32 s8;
	s8 =	smov.u32 s9  }
0x18a: {  	v13 =	vmov v18;
	s9 =	smov.u32 s10;
	s10 =	smov.u32 s13;
	s13 =	smov.u32 s6;
	v25 =	vadd.f32 v25, v27;
	v23 =	vmul.f32 v23, v22  }
0x18b: {  	v18 =	vld [tilespmem:s13+$0xA420];
	v27 =	vmul.f32 v20, v20;
	v22 =	vadd.f32 v26, v30;
	v26 =	vmul.f32 v31, v24  }
0x18c: {  	v28 =	vshrl.u32 v25, $0x1;
	v25 =	vmul.f32 $5.000000000e-01, v25;
	v30 =	vmul.f32 v23, v10;
	v10 =	vmovc v11;
	v11 =	vmovc v15  }
0x18d: {  	v15 =	vmovc v19;
	v31 =	vperm.xlane v22, v1;
	v28 =	vsub.s32 $0x5F3759DF, v28;
	v26 =	vsub.f32 $1.500000000e+00, v26;
	v19 =	vld [tilespmem:s13+$0xA430]  }
0x18e: {  	v33 =	vmul.f32 v29, v29;
	v34 =	vmul.f32 v28, v25;
	[tilespmem:s14+$0x12430] =	vst v30  }
0x18f: {  	v30 =	vadd.f32 v22, v31;
	v22 =	vmul.f32 v26, v24;
	v24 =	vmul.f32 v23, v7;
	v7 =	vmovc v9  }
0x190: {  	v9 =	vmovc v12;
	v26 =	vadd.f32 v33, v27;
	v27 =	vmul.f32 v18, v18;
	v31 =	vmul.f32 v28, v34  }
.Ltmp6:
0x191: {  	v12 =	vmovc v16;
	v33 =	vperm.xlane v30, v2;
	v34 =	vmul.f32 v22, v21;
	[tilespmem:s14+$0x12400] =	vst v24;
	v21 =	vmov v25;
	(pc) =	sbr.rel @p2 .LBB2_11-.Ltmp6, $4  }
0x192: {  	s6 =	sshra.s32 s11, $0x2;
	v16 =	vmovc v20;
	v24 =	vadd.f32 v27, v26;
	v26 =	vmul.f32 v19, v19;
	v27 =	vsub.f32 $1.500000000e+00, v31  }
0x193: {  	v31 =	vmul.f32 v23, v5;
	v5 =	vmovc v8;
	v20 =	vld [tilespmem:s6+$0xA400];
	v25 =	vadd.f32 v30, v33;
	v30 =	vmul.f32 v34, v22  }
0x194: {  	v8 =	vmovc v14;
	v26 =	vadd.f32 v26, v24;
	v24 =	vmul.f32 v28, v27;
	v28 =	vmul.f32 v23, v6  }
0x195: {  	s11 =	sadd.s32 $0x100, s11;
	v14 =	vmovc v17;
	v17 =	vmovc v29;
	v6 =	vmov v32;
	v27 =	vperm.xlane v25, v3;
	v23 =	vsub.f32 $1.500000000e+00, v30;
	[tilespmem:s14+$0x12410] =	vst v31  }
0x196: {  	v29 =	vld [tilespmem:s6+$0xA410]  }
0x197: {  	[tilespmem:s14+$0x12420] =	vst v28  }
0x198: {  	v28 =	vld [tilespmem:s6+$0xA420];
	_ =	sdelay $0x1  }
0x199: {  	v30 =	vld [tilespmem:s6+$0xA430]  }
0x19a: {  	v31 =	vmul.f32 v20, v20;
	v32 =	vmul.f32 v29, v29;
	_ =	sdelay $0x1  }
0x19b: {  	v51 =	vmul.f32 v28, v28;
	v31 =	vadd.f32 v32, v31  }
0x19c: {  	v33 =	vperm.xlane v26, v0  }
0x19d: {  	v52 =	vmul.f32 v30, v30;
	v31 =	vadd.f32 v51, v31  }
0x19e: {  	v26 =	vadd.f32 v26, v33  }
0x19f: {  	v31 =	vadd.f32 v52, v31  }
0x1a0: {  	v53 =	vperm.xlane v26, v1  }
0x1a1: {  	v54 =	vperm.xlane v31, v0  }
0x1a2: {  	v26 =	vadd.f32 v26, v53  }
0x1a3: {  	v31 =	vadd.f32 v31, v54  }
0x1a4: {  	v55 =	vperm.xlane v26, v2  }
0x1a5: {  	v56 =	vperm.xlane v31, v1  }
0x1a6: {  	v25 =	vadd.f32 v25, v27;
	v26 =	vadd.f32 v26, v55  }
0x1a7: {  	v58 =	vadd.f32 v31, v56  }
0x1a8: {  	v57 =	vshrl.u32 v25, $0x1;
	v25 =	vmul.f32 $5.000000000e-01, v25;
	v60 =	vperm.xlane v26, v3  }
0x1a9: {  	v33 =	vsub.s32 $0x5F3759DF, v57;
	v34 =	vperm.xlane v58, v2  }
0x1aa: {  	v59 =	vmul.f32 v33, v25;
	v26 =	vadd.f32 v26, v60  }
0x1ab: {  	v27 =	vadd.f32 v58, v34  }
0x1ac: {  	v32 =	vshrl.u32 v26, $0x1;
	v26 =	vmul.f32 $5.000000000e-01, v26;
	v31 =	vmul.f32 v33, v59  }
0x1ad: {  	v32 =	vsub.s32 $0x5F3759DF, v32;
	v34 =	vperm.xlane v27, v3  }
0x1ae: {  	v61 =	vmul.f32 v32, v26;
	v31 =	vsub.f32 $1.500000000e+00, v31  }
0x1af: {  	v35 =	vmul.f32 v24, v21;
	v27 =	vadd.f32 v27, v34  }
0x1b0: {  	v31 =	vmul.f32 v33, v31;
	v33 =	vmul.f32 v32, v61  }
0x1b1: {  	v62 =	vmul.f32 v35, v24;
	v36 =	vshrl.u32 v27, $0x1;
	v27 =	vmul.f32 $5.000000000e-01, v27  }
0x1b2: {  	v63 =	vmul.f32 v31, v25;
	v33 =	vsub.f32 $1.500000000e+00, v33;
	v36 =	vsub.s32 $0x5F3759DF, v36  }
0x1b3: {  	v22 =	vmul.f32 v23, v22;
	v34 =	vsub.f32 $1.500000000e+00, v62;
	v37 =	vmul.f32 v36, v27  }
0x1b4: {  	v35 =	vmul.f32 v63, v31;
	v32 =	vmul.f32 v32, v33  }
0x1b5: {  	v40 =	vmul.f32 v34, v24;
	v42 =	vmul.f32 v36, v37  }
0x1b6: {  	v41 =	vsub.f32 $1.500000000e+00, v35;
	v45 =	vmul.f32 v32, v26  }
0x1b7: {  	v10 =	vmul.f32 v22, v10;
	v43 =	vmul.f32 v40, v21;
	v46 =	vsub.f32 $1.500000000e+00, v42  }
0x1b8: {  	v44 =	vmul.f32 v41, v31;
	v31 =	vmul.f32 v45, v32  }
0x1b9: {  	v21 =	vmul.f32 v43, v40;
	v33 =	vmul.f32 v36, v46  }
0x1ba: {  	v7 =	vmul.f32 v22, v7;
	v25 =	vmul.f32 v44, v25;
	v31 =	vsub.f32 $1.500000000e+00, v31  }
0x1bb: {  	v5 =	vmul.f32 v22, v5;
	v21 =	vsub.f32 $1.500000000e+00, v21;
	v47 =	vmul.f32 v33, v27  }
0x1bc: {  	v48 =	vmul.f32 v25, v44;
	v49 =	vmul.f32 v31, v32  }
0x1bd: {  	[tilespmem:s8+$0x12430] =	vst v10;
	v21 =	vmul.f32 v21, v40;
	v50 =	vmul.f32 v47, v33  }
0x1be: {  	v6 =	vmul.f32 v22, v6;
	[tilespmem:s8+$0x12400] =	vst v7;
	v52 =	vsub.f32 $1.500000000e+00, v48;
	v53 =	vmul.f32 v49, v26  }
0x1bf: {  	[tilespmem:s8+$0x12410] =	vst v5;
	v51 =	vmul.f32 v21, v11;
	v5 =	vmul.f32 v21, v9;
	v54 =	vsub.f32 $1.500000000e+00, v50  }
0x1c0: {  	[tilespmem:s8+$0x12420] =	vst v6;
	v55 =	vmul.f32 v21, v8;
	v56 =	vmul.f32 v52, v44  }
0x1c1: {  	v57 =	vmul.f32 v53, v49;
	[tilespmem:s9+$0x12430] =	vst v51;
	v58 =	vmul.f32 v54, v33  }
0x1c2: {  	v4 =	vmul.f32 v21, v4;
	[tilespmem:s9+$0x12400] =	vst v5  }
0x1c3: {  	[tilespmem:s9+$0x12410] =	vst v55;
	v5 =	vmul.f32 v56, v15;
	v59 =	vsub.f32 $1.500000000e+00, v57;
	v60 =	vmul.f32 v58, v27  }
0x1c4: {  	[tilespmem:s9+$0x12420] =	vst v4;
	v4 =	vmul.f32 v56, v12;
	v11 =	vmul.f32 v56, v14  }
0x1c5: {  	[tilespmem:s10+$0x12430] =	vst v5;
	v5 =	vmul.f32 v59, v49;
	v61 =	vmul.f32 v60, v58  }
0x1c6: {  	[tilespmem:s10+$0x12400] =	vst v4;
	v4 =	vmul.f32 v56, v13  }
0x1c7: {  	[tilespmem:s10+$0x12410] =	vst v11;
	v62 =	vmul.f32 v5, v19;
	v6 =	vsub.f32 $1.500000000e+00, v61  }
0x1c8: {  	[tilespmem:s10+$0x12420] =	vst v4;
	v4 =	vmul.f32 v5, v16  }
0x1c9: {  	v63 =	vmul.f32 v5, v17;
	[tilespmem:s13+$0x12430] =	vst v62;
	v6 =	vmul.f32 v6, v58  }
0x1ca: {  	[tilespmem:s13+$0x12400] =	vst v4;
	v4 =	vmul.f32 v5, v18  }
0x1cb: {  	[tilespmem:s13+$0x12410] =	vst v63;
	v5 =	vmul.f32 v6, v30  }
0x1cc: {  	[tilespmem:s13+$0x12420] =	vst v4;
	v4 =	vmul.f32 v6, v20  }
0x1cd: {  	s0 =	sadd.s32 s5, s0;
	[tilespmem:s6+$0x12430] =	vst v5;
	v5 =	vmul.f32 v6, v29  }
0x1ce: {  	s0 =	sshll.u32 s0, $0xA;
	[tilespmem:s6+$0x12400] =	vst v4;
	v4 =	vmul.f32 v6, v28  }
0x1cf: {  	s0 =	sand.u32 $0x1FFFF800, s0;
	[tilespmem:s6+$0x12410] =	vst v5  }
.Ltmp7:
0x1d0: {  	s0 =	sadd.s32 s2, s0;
	[tilespmem:s6+$0x12420] =	vst v4;
	(pc) =	sbr.rel @!p1 .LBB2_14-.Ltmp7, $4  }
0x1d1: {  	[hbm4b:s0+s3] =	stream.linear.scatter [tilespmem:s21], [sflag:$0x7], $0x2000, $0x38;
	[tilespmem:$0x16400] =	vst v63  }
0x1d2: {  	s6 =	simm.s32 @!p0 $0xA400;
	s0 =	sadd.s32 @!p0 $0x300, s1;
	s1 =	simm.s32 @!p0 $0x80  }
0x1d3: {  	[tilespmem:s6], [sflag:$0x3] =	stream.indirect.gather @!p0 [hbm4b:s4+s1], $0x40, s0, s1, $0xb8;
	[tilespmem:$0x16400] =	vst v63  }
0x1d4: {  	s0 =	sor.u32 @!p0 $0x3, s31  }
0x1d5: {  	_ =	swait.ge [sflag:s28], $0x2000  }
0x1d6: {  	[sflag:s28] =	ssyncset.done $0x0  }
0x1d7: {  	s0 =	simm.s32 @p0 $0xC7;
	[sflag:s28] =	ssyncadd.s32 $0xFFFFE000  }
.LBB2_14:
0x1d8: {  	_ =	swait.ge [sflag:s22], $0x2000  }
0x1d9: {  	[sflag:s22] =	ssyncset.done $0x0  }
0x1da: {  	s13 =	simm.s32 $0x0;
	[sflag:s22] =	ssyncadd.s32 $0xFFFFE000  }
0x1db: {  	v20 =	vld [tilespmem:s13+$0xC400]  }
0x1dc: {  	v24 =	vld [tilespmem:s13+$0xC410];
	_ =	sdelay $0x1  }
0x1dd: {  	v23 =	vld [tilespmem:s13+$0xC420];
	_ =	sdelay $0x1  }
0x1de: {  	v19 =	vld [tilespmem:s13+$0xC430]  }
0x1df: {  	v4 =	vmul.f32 v20, v20;
	v5 =	vmul.f32 v24, v24;
	_ =	sdelay $0x1  }
0x1e0: {  	v4 =	vadd.f32 v5, v4;
	v5 =	vmul.f32 v23, v23;
	_ =	sdelay $0x1  }
0x1e1: {  	v4 =	vadd.f32 v5, v4;
	v5 =	vmul.f32 v19, v19;
	_ =	sdelay $0x1  }
0x1e2: {  	s1 =	simm.s32 $0x40;
	v4 =	vadd.f32 v5, v4  }
0x1e3: {  	v7 =	vld [tilespmem:s1+$0xC400]  }
0x1e4: {  	v5 =	vld [tilespmem:s1+$0xC410];
	v8 =	vperm.xlane v4, v0;
	_ =	sdelay $0x1  }
0x1e5: {  	v6 =	vld [tilespmem:s1+$0xC420];
	v4 =	vadd.f32 v4, v8;
	_ =	sdelay $0x1  }
0x1e6: {  	v10 =	vld [tilespmem:s1+$0xC430];
	v8 =	vperm.xlane v4, v1  }
0x1e7: {  	v9 =	vmul.f32 v7, v7;
	v11 =	vmul.f32 v5, v5  }
0x1e8: {  	v4 =	vadd.f32 v4, v8  }
0x1e9: {  	v8 =	vadd.f32 v11, v9;
	v9 =	vmul.f32 v6, v6  }
0x1ea: {  	v11 =	vperm.xlane v4, v2  }
0x1eb: {  	v8 =	vadd.f32 v9, v8;
	v9 =	vmul.f32 v10, v10  }
0x1ec: {  	v4 =	vadd.f32 v4, v11  }
0x1ed: {  	s8 =	simm.s32 $0x80;
	v11 =	vadd.f32 v9, v8  }
0x1ee: {  	v8 =	vld [tilespmem:s8+$0xC410];
	v12 =	vperm.xlane v4, v3  }
0x1ef: {  	v9 =	vld [tilespmem:s8+$0xC400];
	v13 =	vperm.xlane v11, v0  }
0x1f0: {  	v12 =	vadd.f32 v4, v12  }
0x1f1: {  	v4 =	vld [tilespmem:s8+$0xC420];
	v13 =	vadd.f32 v11, v13  }
0x1f2: {  	v14 =	vshrl.u32 v12, $0x1;
	v16 =	vmul.f32 $5.000000000e-01, v12  }
0x1f3: {  	v11 =	vld [tilespmem:s8+$0xC430];
	v17 =	vmul.f32 v8, v8;
	v15 =	vperm.xlane v13, v1;
	v14 =	vsub.s32 $0x5F3759DF, v14  }
0x1f4: {  	v12 =	vmul.f32 v9, v9;
	v18 =	vmul.f32 v14, v16  }
0x1f5: {  	v13 =	vadd.f32 v13, v15  }
0x1f6: {  	v12 =	vadd.f32 v17, v12;
	v15 =	vmul.f32 v4, v4;
	v17 =	vmul.f32 v14, v18  }
0x1f7: {  	v18 =	vperm.xlane v13, v2  }
0x1f8: {  	v21 =	vmul.f32 v11, v11;
	v15 =	vadd.f32 v15, v12;
	v17 =	vsub.f32 $1.500000000e+00, v17  }
0x1f9: {  	s9 =	simm.s32 $0xC0;
	v13 =	vadd.f32 v13, v18  }
0x1fa: {  	v12 =	vld [tilespmem:s9+$0xC400];
	v15 =	vadd.f32 v21, v15;
	v17 =	vmul.f32 v14, v17  }
0x1fb: {  	v18 =	vperm.xlane v13, v3  }
0x1fc: {  	v14 =	vld [tilespmem:s9+$0xC410];
	v21 =	vperm.xlane v15, v0;
	v22 =	vmul.f32 v17, v16  }
0x1fd: {  	v18 =	vadd.f32 v13, v18  }
0x1fe: {  	v13 =	vld [tilespmem:s9+$0xC420];
	v21 =	vadd.f32 v15, v21;
	v22 =	vmul.f32 v22, v17  }
0x1ff: {  	v25 =	vmul.f32 v12, v12;
	v26 =	vshrl.u32 v18, $0x1;
	v27 =	vmul.f32 $5.000000000e-01, v18  }
0x200: {  	v15 =	vld [tilespmem:s9+$0xC430];
	v18 =	vperm.xlane v21, v1;
	v26 =	vsub.s32 $0x5F3759DF, v26;
	v22 =	vsub.f32 $1.500000000e+00, v22  }
0x201: {  	v28 =	vmul.f32 v14, v14;
	v29 =	vmul.f32 v26, v27  }
0x202: {  	v18 =	vadd.f32 v21, v18;
	v21 =	vmul.f32 v22, v17  }
0x203: {  	v17 =	vadd.f32 v28, v25;
	v22 =	vmul.f32 v13, v13;
	v25 =	vmul.f32 v26, v29  }
0x204: {  	v28 =	vperm.xlane v18, v2;
	v29 =	vmul.f32 v21, v16  }
0x205: {  	s10 =	simm.s32 $0x100;
	v17 =	vadd.f32 v22, v17;
	v22 =	vmul.f32 v15, v15;
	v25 =	vsub.f32 $1.500000000e+00, v25  }
0x206: {  	v16 =	vld [tilespmem:s10+$0xC400];
	v18 =	vadd.f32 v18, v28;
	v28 =	vmul.f32 v29, v21  }
0x207: {  	v22 =	vadd.f32 v22, v17;
	v25 =	vmul.f32 v26, v25  }
0x208: {  	v26 =	vperm.xlane v18, v3;
	v28 =	vsub.f32 $1.500000000e+00, v28  }
0x209: {  	v17 =	vld [tilespmem:s10+$0xC410];
	v29 =	vperm.xlane v22, v0;
	v30 =	vmul.f32 v25, v27  }
0x20a: {  	v26 =	vadd.f32 v18, v26;
	v28 =	vmul.f32 v28, v21  }
0x20b: {  	v18 =	vld [tilespmem:s10+$0xC420];
	v31 =	vmul.f32 v16, v16;
	v22 =	vadd.f32 v22, v29;
	v29 =	vmul.f32 v30, v25  }
0x20c: {  	v30 =	vshrl.u32 v26, $0x1;
	v21 =	vmul.f32 $5.000000000e-01, v26;
	v26 =	vmul.f32 v28, v19  }
0x20d: {  	v19 =	vld [tilespmem:s10+$0xC430];
	v32 =	vperm.xlane v22, v1;
	v30 =	vsub.s32 $0x5F3759DF, v30;
	v29 =	vsub.f32 $1.500000000e+00, v29  }
0x20e: {  	v33 =	vmul.f32 v17, v17;
	v34 =	vmul.f32 v30, v21  }
0x20f: {  	v20 =	vmul.f32 v28, v20;
	v32 =	vadd.f32 v22, v32;
	v22 =	vmul.f32 v29, v25  }
0x210: {  	v25 =	vadd.f32 v33, v31;
	v29 =	vmul.f32 v18, v18;
	v31 =	vmul.f32 v30, v34  }
0x211: {  	[tilespmem:s13+$0x14430] =	vst v26;
	v61 =	vperm.xlane v32, v2;
	v27 =	vmul.f32 v22, v27  }
0x212: {  	s6 =	simm.s32 $0x140;
	[tilespmem:s13+$0x14400] =	vst v20;
	v26 =	vadd.f32 v29, v25;
	v29 =	vmul.f32 v19, v19;
	v31 =	vsub.f32 $1.500000000e+00, v31  }
0x213: {  	v63 =	vmul.f32 v28, v24;
	v20 =	vld [tilespmem:s6+$0xC400];
	v25 =	vadd.f32 v32, v61;
	v62 =	vmul.f32 v27, v22  }
0x214: {  	v28 =	vmul.f32 v28, v23;
	v26 =	vadd.f32 v29, v26;
	v24 =	vmul.f32 v30, v31  }
0x215: {  	s11 =	simm.s32 $0x600;
	[tilespmem:s13+$0x14410] =	vst v63;
	v27 =	vperm.xlane v25, v3;
	v23 =	vsub.f32 $1.500000000e+00, v62  }
.LBB2_15:
0x216: {  	p1 =	sne.s32 s11, $0x7F00;
	v29 =	vld [tilespmem:s6+$0xC410];
	v30 =	vperm.xlane v26, v0;
	v31 =	vmul.f32 v24, v21;
	[tilespmem:s13+$0x14420] =	vst v28;
	v32 =	vmovc v4;
	v4 =	vmov v13;
	s13 =	smov.u32 s1;
	s1 =	smov.u32 s8  }
0x217: {  	v13 =	vmov v18;
	s8 =	smov.u32 s9;
	s9 =	smov.u32 s10;
	s10 =	smov.u32 s6;
	v25 =	vadd.f32 v25, v27;
	v23 =	vmul.f32 v23, v22  }
0x218: {  	v18 =	vld [tilespmem:s10+$0xC420];
	v27 =	vmul.f32 v20, v20;
	v22 =	vadd.f32 v26, v30;
	v26 =	vmul.f32 v31, v24  }
0x219: {  	v28 =	vshrl.u32 v25, $0x1;
	v25 =	vmul.f32 $5.000000000e-01, v25;
	v30 =	vmul.f32 v23, v10;
	v10 =	vmovc v11;
	v11 =	vmovc v15  }
0x21a: {  	v15 =	vmovc v19;
	v31 =	vperm.xlane v22, v1;
	v28 =	vsub.s32 $0x5F3759DF, v28;
	v26 =	vsub.f32 $1.500000000e+00, v26;
	v19 =	vld [tilespmem:s10+$0xC430]  }
0x21b: {  	v33 =	vmul.f32 v29, v29;
	v34 =	vmul.f32 v28, v25;
	[tilespmem:s13+$0x14430] =	vst v30  }
0x21c: {  	v30 =	vadd.f32 v22, v31;
	v22 =	vmul.f32 v26, v24;
	v24 =	vmul.f32 v23, v7;
	v7 =	vmovc v9  }
0x21d: {  	v9 =	vmovc v12;
	v26 =	vadd.f32 v33, v27;
	v27 =	vmul.f32 v18, v18;
	v31 =	vmul.f32 v28, v34  }
.Ltmp8:
0x21e: {  	v12 =	vmovc v16;
	v33 =	vperm.xlane v30, v2;
	v34 =	vmul.f32 v22, v21;
	[tilespmem:s13+$0x14400] =	vst v24;
	v21 =	vmov v25;
	(pc) =	sbr.rel @p1 .LBB2_15-.Ltmp8, $4  }
0x21f: {  	s6 =	sshra.s32 s11, $0x2;
	v16 =	vmovc v20;
	v24 =	vadd.f32 v27, v26;
	v26 =	vmul.f32 v19, v19;
	v27 =	vsub.f32 $1.500000000e+00, v31  }
0x220: {  	v31 =	vmul.f32 v23, v5;
	v5 =	vmovc v8;
	v20 =	vld [tilespmem:s6+$0xC400];
	v25 =	vadd.f32 v30, v33;
	v30 =	vmul.f32 v34, v22  }
0x221: {  	v8 =	vmovc v14;
	v26 =	vadd.f32 v26, v24;
	v24 =	vmul.f32 v28, v27;
	v28 =	vmul.f32 v23, v6  }
0x222: {  	s11 =	sadd.s32 $0x100, s11;
	v14 =	vmovc v17;
	v17 =	vmovc v29;
	v6 =	vmov v32;
	v27 =	vperm.xlane v25, v3;
	v23 =	vsub.f32 $1.500000000e+00, v30;
	[tilespmem:s13+$0x14410] =	vst v31  }
0x223: {  	v29 =	vld [tilespmem:s6+$0xC410]  }
0x224: {  	[tilespmem:s13+$0x14420] =	vst v28  }
0x225: {  	v28 =	vld [tilespmem:s6+$0xC420];
	_ =	sdelay $0x1  }
0x226: {  	v30 =	vld [tilespmem:s6+$0xC430]  }
0x227: {  	v31 =	vmul.f32 v20, v20;
	v32 =	vmul.f32 v29, v29;
	_ =	sdelay $0x1  }
0x228: {  	v51 =	vmul.f32 v28, v28;
	v31 =	vadd.f32 v32, v31  }
0x229: {  	v33 =	vperm.xlane v26, v0  }
0x22a: {  	v52 =	vmul.f32 v30, v30;
	v31 =	vadd.f32 v51, v31  }
0x22b: {  	v26 =	vadd.f32 v26, v33  }
0x22c: {  	v31 =	vadd.f32 v52, v31  }
0x22d: {  	v53 =	vperm.xlane v26, v1  }
0x22e: {  	v54 =	vperm.xlane v31, v0  }
0x22f: {  	v26 =	vadd.f32 v26, v53  }
0x230: {  	v31 =	vadd.f32 v31, v54  }
0x231: {  	v55 =	vperm.xlane v26, v2  }
0x232: {  	v56 =	vperm.xlane v31, v1  }
0x233: {  	v25 =	vadd.f32 v25, v27;
	v26 =	vadd.f32 v26, v55  }
0x234: {  	v58 =	vadd.f32 v31, v56  }
0x235: {  	v57 =	vshrl.u32 v25, $0x1;
	v25 =	vmul.f32 $5.000000000e-01, v25;
	v60 =	vperm.xlane v26, v3  }
0x236: {  	v33 =	vsub.s32 $0x5F3759DF, v57;
	v34 =	vperm.xlane v58, v2  }
0x237: {  	v59 =	vmul.f32 v33, v25;
	v26 =	vadd.f32 v26, v60  }
0x238: {  	v27 =	vadd.f32 v58, v34  }
0x239: {  	v32 =	vshrl.u32 v26, $0x1;
	v26 =	vmul.f32 $5.000000000e-01, v26;
	v31 =	vmul.f32 v33, v59  }
0x23a: {  	v32 =	vsub.s32 $0x5F3759DF, v32;
	v34 =	vperm.xlane v27, v3  }
0x23b: {  	v61 =	vmul.f32 v32, v26;
	v31 =	vsub.f32 $1.500000000e+00, v31  }
0x23c: {  	v35 =	vmul.f32 v24, v21;
	v27 =	vadd.f32 v27, v34  }
0x23d: {  	v31 =	vmul.f32 v33, v31;
	v33 =	vmul.f32 v32, v61  }
0x23e: {  	v62 =	vmul.f32 v35, v24;
	v36 =	vshrl.u32 v27, $0x1;
	v27 =	vmul.f32 $5.000000000e-01, v27  }
0x23f: {  	v63 =	vmul.f32 v31, v25;
	v33 =	vsub.f32 $1.500000000e+00, v33;
	v36 =	vsub.s32 $0x5F3759DF, v36  }
0x240: {  	v22 =	vmul.f32 v23, v22;
	v34 =	vsub.f32 $1.500000000e+00, v62;
	v37 =	vmul.f32 v36, v27  }
0x241: {  	v35 =	vmul.f32 v63, v31;
	v32 =	vmul.f32 v32, v33  }
0x242: {  	v40 =	vmul.f32 v34, v24;
	v42 =	vmul.f32 v36, v37  }
0x243: {  	v41 =	vsub.f32 $1.500000000e+00, v35;
	v45 =	vmul.f32 v32, v26  }
0x244: {  	v10 =	vmul.f32 v22, v10;
	v43 =	vmul.f32 v40, v21;
	v46 =	vsub.f32 $1.500000000e+00, v42  }
0x245: {  	v44 =	vmul.f32 v41, v31;
	v31 =	vmul.f32 v45, v32  }
0x246: {  	v21 =	vmul.f32 v43, v40;
	v33 =	vmul.f32 v36, v46  }
0x247: {  	v7 =	vmul.f32 v22, v7;
	v25 =	vmul.f32 v44, v25;
	v31 =	vsub.f32 $1.500000000e+00, v31  }
0x248: {  	v5 =	vmul.f32 v22, v5;
	v21 =	vsub.f32 $1.500000000e+00, v21;
	v47 =	vmul.f32 v33, v27  }
0x249: {  	v48 =	vmul.f32 v25, v44;
	v49 =	vmul.f32 v31, v32  }
0x24a: {  	[tilespmem:s1+$0x14430] =	vst v10;
	v21 =	vmul.f32 v21, v40;
	v50 =	vmul.f32 v47, v33  }
0x24b: {  	v6 =	vmul.f32 v22, v6;
	[tilespmem:s1+$0x14400] =	vst v7;
	v52 =	vsub.f32 $1.500000000e+00, v48;
	v53 =	vmul.f32 v49, v26  }
0x24c: {  	[tilespmem:s1+$0x14410] =	vst v5;
	v51 =	vmul.f32 v21, v11;
	v5 =	vmul.f32 v21, v9;
	v54 =	vsub.f32 $1.500000000e+00, v50  }
0x24d: {  	[tilespmem:s1+$0x14420] =	vst v6;
	v55 =	vmul.f32 v21, v8;
	v56 =	vmul.f32 v52, v44  }
0x24e: {  	v57 =	vmul.f32 v53, v49;
	[tilespmem:s8+$0x14430] =	vst v51;
	v58 =	vmul.f32 v54, v33  }
0x24f: {  	v4 =	vmul.f32 v21, v4;
	[tilespmem:s8+$0x14400] =	vst v5  }
0x250: {  	[tilespmem:s8+$0x14410] =	vst v55;
	v5 =	vmul.f32 v56, v15;
	v59 =	vsub.f32 $1.500000000e+00, v57;
	v60 =	vmul.f32 v58, v27  }
0x251: {  	[tilespmem:s8+$0x14420] =	vst v4;
	v4 =	vmul.f32 v56, v12;
	v11 =	vmul.f32 v56, v14  }
0x252: {  	[tilespmem:s9+$0x14430] =	vst v5;
	v5 =	vmul.f32 v59, v49;
	v61 =	vmul.f32 v60, v58  }
0x253: {  	[tilespmem:s9+$0x14400] =	vst v4;
	v4 =	vmul.f32 v56, v13  }
0x254: {  	[tilespmem:s9+$0x14410] =	vst v11;
	v62 =	vmul.f32 v5, v19;
	v6 =	vsub.f32 $1.500000000e+00, v61  }
0x255: {  	[tilespmem:s9+$0x14420] =	vst v4;
	v4 =	vmul.f32 v5, v16  }
0x256: {  	v63 =	vmul.f32 v5, v17;
	[tilespmem:s10+$0x14430] =	vst v62;
	v6 =	vmul.f32 v6, v58  }
0x257: {  	[tilespmem:s10+$0x14400] =	vst v4;
	v4 =	vmul.f32 v5, v18  }
0x258: {  	[tilespmem:s10+$0x14410] =	vst v63;
	v5 =	vmul.f32 v6, v30  }
0x259: {  	[tilespmem:s10+$0x14420] =	vst v4;
	v4 =	vmul.f32 v6, v20  }
.Ltmp9:
0x25a: {  	s0 =	sadd.s32 s5, s0;
	[tilespmem:s6+$0x14430] =	vst v5;
	v5 =	vmul.f32 v6, v29;
	(pc) =	sbr.rel @p0 .LBB2_18-.Ltmp9, $4  }
0x25b: {  	s0 =	sshll.u32 s0, $0xA;
	[tilespmem:s6+$0x14400] =	vst v4;
	v4 =	vmul.f32 v6, v28  }
0x25c: {  	s0 =	sand.u32 $0x1FFFFC00, s0;
	[tilespmem:s6+$0x14410] =	vst v5  }
0x25d: {  	s0 =	sadd.s32 s2, s0;
	[tilespmem:s6+$0x14420] =	vst v4  }
0x25e: {  	[hbm4b:s0+s3] =	stream.linear.scatter [tilespmem:s23], [sflag:$0x8], $0x2000, $0x38;
	[tilespmem:$0x16400] =	vst v63  }
.Ltmp10:
0x25f: {  	(pc) =	sbr.rel .LBB2_2-.Ltmp10, $4  }
0x260: {  	s0 =	sshll.u32 s30, $0x9  }
0x261: {  	s0 =	sand.u32 $0x3FFFFE00, s0  }
0x262: {  	s30 =	sadd.s32 $0x1, s30;
	s0 =	sadd.s32 $0x380, s0  }
0x263: {  	[tilespmem:s15], [sflag:$0x4] =	stream.indirect.gather [hbm4b:s4+s12], $0x40, s0, s12, $0xb8;
	[tilespmem:$0x16400] =	vst v63  }
.LBB2_19:
0x264: {  	_ =	sfence.sel $0x180000  }
0x265: {  	[bflag:$0x0] =	sbarrier.arrive $0xFFFF  }
0x266: {  	_ =	strace $0x90000047  }
0x267: {  	s0 =	stileid.u32;
	[bflag:$0x2] =	sbarrier.arrive $0xFFFF  }
0x268: {  	p0 =	sne.s32 s0, $0x0;
	s0 =	rddreg [dreg:$0x2]  }
0x269: {  	s0 =	sadd.s32 @!p0 $0x100000, s0  }
0x26a: {  	[sflag:s0] =	ssyncadd.tile.s32 @!p0 $0x1;
	_ =	shalt  }
.Lfunc_end2:
_tile_overlayer_lowered:
.L_overlay_start_2:
0x26b: {  	(tag) =	ssettag $0x2  }
0x26c: {  	s0 =	rddreg [dreg:$0x0];
	s2 =	stileid.u32  }
0x26d: {  	s1 =	rddreg [dreg:$0x1];
	p0 =	sne.s32 s2, $0x0  }
0x26e: {  	s3 =	rddreg [dreg:$0x2];
	[bflag:$0x3] =	sbarrier.arrive $0xFFFF;
	s2 =	simm.s32 @!p0 $0x1C09  }
0x26f: {  	[timem:s3], [sflag:s2] =	dma.local @!p0 [hbm:s0], s1  }
0x270: {  	s0 =	simm.s32 @!p0 $0x9  }
0x271: {  	_ =	swait.ge @!p0 [sflag:s0], s1  }
0x272: {  	s1 =	ssub.s32 @!p0 $0x0, s1;
	[sflag:s0] =	ssyncset.done @!p0 $0x0  }
0x273: {  	[sflag:s0] =	ssyncadd.s32 @!p0 s1  }
0x274: {  	[bflag:$0x3] =	sbarrier.arrive $0xFFFF  }
0x275: {  	_ =	shalt  }

// kernel: sparse-core-data-format-call.cloned.1.call-start
scs
called_computation_lowered:
.L_overlay_start_0:
0x0: {  	s2 =	sld [smem:$0x3FD9]  }
0x1: {  	s3 =	sld [smem:$0x3FFE];
	_ =	sdelay $0x1  }
0x2: {  	s1 =	srdreg.scid  }
0x3: {  	s0 =	sand.u32 $0x1, s1  }
0x4: {  	s18 =	sshll.u32 s0, $0xA;
	s2 =	sadd.s32 s3, s2  }
0x5: {  	s2 =	sadd.s32 s2, s18  }
0x6: {  	[smem:$0x3FC6] =	sst s2  }
0x7: {  	_ = 	snop  }
0x8: {  	s2 =	sld [smem:$0x3FD0];
	(tm) =	ssettm $0x1  }
0x9: {  	s19 =	sld [smem:$0x3FFB];
	_ =	sdelay $0x3  }
0xa: {  	_ =	strace s19  }
0xb: {  	s3 =	sld [smem:$0x3FFC];
	_ =	sdelay $0x3  }
0xc: {  	_ =	strace s3  }
0xd: {  	s3 =	sld [smem:$0x3FFD];
	_ =	sdelay $0x3  }
0xe: {  	_ =	strace s3  }
0xf: {  	_ =	strace $0x8FFFFFFF  }
0x10: {  	s20 =	sld [smem:$0x3FDB];
	_ =	sdelay $0x1  }
0x11: {  	s4 =	simm.s32 $_scs_section_size  }
0x12: {  	s5 =	simm.s32 $_size__tile_overlayer_lowered;
	s6 =	simm.s32 $_tile_overlayer_lowered  }
0x13: {  	s23 =	simm.s32 $0x1BFF;
	s22 =	sshll.u32 s6, $0x1;
	s3 =	sadd.s32 s4, s20  }
0x14: {  	s7 =	simm.s32 $0x0;
	s21 =	sshll.u32 s5, $0x1;
	s5 =	sadd.s32 s22, s3  }
0x15: {  	[timem:s7], [sflag:s23] =	dma.local [hbm:s5], s21  }
0x16: {  	_ =	swait.ge [sflag:s23], s21  }
0x17: {  	s4 =	ssub.s32 $0x0, s21;
	[sflag:s23] =	ssyncset.done $0x0  }
0x18: {  	[sflag:s23] =	ssyncadd.s32 s4;
	_ =	sdelay $0x1  }
0x19: {  	s24 =	simm.s32 $0x1B8B  }
0x1a: {  	_ =	swait.ge [sflag:s24], $0x1  }
0x1b: {  	[sflag:s24] =	ssyncset.done $0x0  }
0x1c: {  	s26 =	simm.s32 $0x1B8E;
	s25 =	sld [smem:$0x3FFE];
	[sflag:s24] =	ssyncadd.s32 $0xFFFFFFFF  }
0x1d: {  	s27 =	simm.s32 $execute0_lowered;
	[smem:$0x3FD2] =	sst s26  }
0x1e: {  	s5 =	sshll.u32 s27, $0x1;
	_ =	strace $0x80000049;
	[dreg:$0x1] =	wrdreg $0xFFFFFFFF  }
0x1f: {  	s28 =	simm.s32 $_size_execute0_lowered;
	s3 =	sadd.s32 s3, s5;
	[dreg:$0x0] =	wrdreg $0x0  }
0x20: {  	s5 =	sshll.u32 s28, $0x1;
	[dreg:$0x2] =	wrdreg s3  }
0x21: {  	[dreg:$0x3] =	wrdreg s5  }
0x22: {  	[dreg:$0x4] =	wrdreg $0xC0  }
0x23: {  	_ =	task [dreg:s7], $0x5FFFF  }
0x24: {  	[dreg:$0x1] =	wrdreg $0xFFFFFFFF  }
0x25: {  	[dreg:$0x0] =	wrdreg $0x60  }
0x26: {  	[dreg:$0x2] =	wrdreg s25  }
0x27: {  	[dreg:$0x3] =	wrdreg s2  }
0x28: {  	[dreg:$0x4] =	wrdreg $0x9  }
0x29: {  	_ =	task.clear_ibuf [dreg:s7], $0x5FFFF;
	_ =	strace $0x90000049  }
0x2a: {  	s29 =	simm.s32 $0x9;
	_ =	strace $0x8000004B  }
0x2b: {  	_ =	swait.ge [sflag:s29], $0x1  }
0x2c: {  	[sflag:s29] =	ssyncadd.s32 $0xFFFFFFFF  }
0x2d: {  	_ =	strace $0x9000004B  }
0x2e: {  	_ =	sfence  }
0x2f: {  	s30 =	sld [smem:$0x0];
	_ =	sdelay $0x2  }
0x30: {  	s31 =	sshll.u32 s1, $0xD;
	s1 =	sshrl.u32 s1, $0x2  }
0x31: {  	s3 =	sand.u32 $0x4000, s31;
	s1 =	sadd.s32 s1, s30  }
0x32: {  	s0 =	sor.u32 s3, s0;
	s1 =	sshll.u32 s1, $0x11  }
0x33: {  	s0 =	sor.u32 s1, s0  }
0x34: {  	s0 =	sadd.s32 $0x8F2B, s0  }
0x35: {  	[sflag:s0] =	ssyncadd.remote.s32 $0x1  }
0x36: {  	_ =	sfence.sel $0xFFFF  }
0x37: {  	[dreg:$0x0] =	wrdreg $0xFFFFFFFF;
	(pc) =	sbr.abs _section_cstart, $3  }
0x38: {  	[dreg:$0x1] =	wrdreg $0xFFFFFFFF  }
0x39: {  	_ =	task.clear_ibuf [dreg:s7], $0x2FFFF;
	_ =	strace $0x9FFFFFFF  }
0x3a: {  	(tm) =	ssettm $0x7FFFFFFF  }
0x3b: {  	_ =	shalt  }
tec
execute0_lowered:
.L_overlay_start_1:
0x0: {  	(tag) =	ssettag $0x1  }
0x1: {  	s0 =	srdreg.scid  }
0x2: {  	s1 =	sshll.u32 s0, $0x4  }
0x3: {  	s0 =	stileid.u32;
	s1 =	sand.u32 $0x10, s1  }
0x4: {  	s1 =	sor.u32 s0, s1  }
0x5: {  	s6 =	rddreg [dreg:$0x0];
	s4 =	simm.s32 $0x1;
	s2 =	sshll.u32 s1, $0x7  }
0x6: {  	s7 =	simm.s32 $0x2;
	s12 =	simm.s32 $0x0;
	s1 =	ssub.s32 $0x4000, s2  }
0x7: {  	s8 =	simm.s32 $0x20000;
	s13 =	simm.s32 $0x0;
	s3 =	sand.u32 $0xF80, s1  }
0x8: {  	s9 =	simm.s32 $0x0;
	s5 =	sshrl.u32 s1, $0xC;
	p0 =	sne.s32 s3, $0x0  }
.Ltmp0:
0x9: {  	s1 =	rddreg [dreg:$0x2];
	s4 =	simm.s32 @!p0 $0x0;
	(pc) =	sbr.rel .LBB1_1-.Ltmp0, $4  }
0xa: {  	s11 =	simm.s32 $0x0;
	s3 =	rddreg [dreg:$0x1];
	s5 =	sadd.s32 s4, s5  }
0xb: {  	_ =	strace $0x8000004A;
	s4 =	simm.s32 $0x1;
	s5 =	smul.u32 $0x32, s5  }
0xc: {  	s6 =	sadd.s32 $0xA00, s6;
	s10 =	smov.u32 s2;
	[sflag:s4] =	ssyncpa.u1 $0x0  }
0xd: {  	p0 =	por $0x0, $0x0;
	[sflag:s7] =	ssyncpa.u1 $0x0;
	s7 =	sor.u32 $0x1, s5  }
.LBB1_4:
0xe: {  	s16 =	sshll.u32 s13, $0x3;
	s17 =	sand.u32 $0x78, s13  }
0xf: {  	s30 =	sand.u32 $0x1F800, s13;
	s12 =	sshll.u32 s12, $0x11;
	s16 =	sand.u32 $0x3C00, s16  }
0x10: {  	[tilespmem:s15+$0x810 ss:$0x81] =	vst.msk $0xffff, v2;
	s31 =	sand.u32 $0x7, s13;
	s16 =	sor.u32 s17, s16;
	s17 =	sadd.s32 s3, s30  }
0x11: {  	[tilespmem:s15+$0x1020 ss:$0x81] =	vst.msk $0xffff, v0;
	s13 =	sshll.u32 s31, $0x12;
	s12 =	sadd.s32 s12, s17;
	s16 =	sshrl.u32 s16, $0x3  }
0x12: {  	[tilespmem:s15+$0x0 ss:$0x81] =	vst.msk $0xffff, v1;
	s13 =	sor.u32 $0x400, s13;
	s12 =	sadd.s32 s16, s12  }
0x13: {  	[hbm4b:s12+s13] =	stream.strided.scatter [tilespmem:s14], [sflag:$0x2], $0x2000, s8, s13, $0x20;
	[tilespmem:$0x8080] =	vst v63  }
.LBB1_5:
0x14: {  	s14 =	sadd.s32 $0x1, s9  }
0x15: {  	s12 =	sadd.s32 $0x1000, s10;
	s16 =	smov.u32 s10;
	p2 =	sgt.s32 s14, $0x31  }
0x16: {  	s16 =	smov.u32 @p2 s12  }
0x17: {  	s14 =	simm.s32 @p2 $0x0;
	p2 =	sgt.s32 s16, $0x3FFF  }
0x18: {  	s16 =	smov.u32 @p2 s2;
	p2 =	sne.s32 s11, s7  }
.Ltmp1:
0x19: {  	p1 =	slt.u32 s11, $0x2;
	(pc) =	sbr.rel @!p2 .LBB1_6-.Ltmp1, $4  }
0x1a: {  	s15 =	simm.s32 @!p1 $0x2  }
0x1b: {  	s13 =	smov.u32 s10;
	p0 =	por !p0, !p0;
	_ =	swait.ge @!p1 [sflag:s15], $0x2000  }
0x1c: {  	s12 =	smov.u32 s9;
	[sflag:s15] =	ssyncset.done @!p1 $0x0;
	s9 =	smov.u32 s14  }
0x1d: {  	s11 =	sadd.s32 $0x1, s11;
	[sflag:s15] =	ssyncadd.s32 @!p1 $0xFFFFE000;
	s10 =	smov.u32 s16  }
.LBB1_1:
0x1e: {  	p1 =	sge.u32 s11, s5  }
0x1f: {  	s14 =	sand.u32 @!p1 $0x1FFFFFF, s9  }
0x20: {  	s15 =	smulhi.u32 @!p1 $0x4924925, s14;
	_ =	sdelay $0x1  }
0x21: {  	s15 =	smul.u32 @!p1 $0x38, s15  }
0x22: {  	s16 =	sxor.u32 @!p1 $0xFFFFFFFF, s11;
	s17 =	smul.u32 @!p1 $0x380, s10  }
0x23: {  	s31 =	sadd.s32 $0xFFFFFFFF, s11;
	s16 =	sshll.u32 @!p1 s16, $0xD;
	s14 =	ssub.s32 @!p1 s14, s15  }
0x24: {  	s15 =	sand.u32 @!p1 $0x2000, s16;
	s16 =	sadd.s32 @!p1 s6, s17;
	s14 =	sshll.u32 @!p1 s14, $0x4  }
0x25: {  	s17 =	simm.s32 @!p1 $0x1C00;
	s14 =	sadd.s32 @!p1 s14, s16;
	s16 =	simm.s32 @!p1 $0x40  }
0x26: {  	[tilespmem:s15], [sflag:$0x1] =	stream.strided.gather @!p1 [hbm4b:s14+s16], $0x2000, s17, s16, $0x38;
	[tilespmem:$0x8080] =	vst v63  }
0x27: {  	p1 =	sge.u32 s31, s5  }
.Ltmp2:
0x28: {  	_ = 	snop;
	(pc) =	sbr.rel @p1 .LBB1_5-.Ltmp2, $1  }
0x29: {  	_ =	sdelay $0x3  }
0x2a: {  	s14 =	simm.s32 $0x1  }
0x2b: {  	_ =	swait.ge [sflag:s4], $0x2000;
	s14 =	simm.s32 @!p0 $0x0  }
0x2c: {  	[sflag:s4] =	ssyncset.done $0x0;
	s15 =	sshll.u32 s14, $0xD  }
0x2d: {  	[sflag:s4] =	ssyncadd.s32 $0xFFFFE000;
	s18 =	sor.u32 $0x20, s15  }
0x2e: {  	s14 =	smul.u32 $0x8100, s14;
	v3 =	vld [tilespmem:s18+$0x10]  }
0x2f: {  	s30 =	sand.u32 $0x1, s11;
	v2 =	vld [tilespmem:s18+$0xFFFFFFF0]  }
0x30: {  	s15 =	smul.u32 $0x8100, s30;
	s14 =	sshrl.u32 s14, $0x2;
	v0 =	vld [tilespmem:s18+$0x0]  }
0x31: {  	v1 =	vld [tilespmem:s18+$0xFFFFFFE0];
	s16 =	sor.u32 $0x4000, s14  }
0x32: {  	s31 =	sshrl.u32 s15, $0x2;
	s15 =	sadd.s32 $0x0, s16  }
0x33: {  	s17 =	simm.s32 $0x4;
	s18 =	sadd.s32 $0x40, s18;
	s14 =	sor.u32 $0x4000, s31;
	[tilespmem:s15+$0x1830 ss:$0x81] =	vst.msk $0xffff, v3  }
.LBB1_3:
0x34: {  	v3 =	vld [tilespmem:s18+$0x10];
	p1 =	sne.s32 s17, $0x1FC;
	[tilespmem:s15+$0x810 ss:$0x81] =	vst.msk $0xffff, v2;
	s19 =	smov.u32 s17;
	s17 =	sadd.s32 $0x4, s17  }
.Ltmp3:
0x35: {  	v2 =	vld [tilespmem:s18+$0xFFFFFFF0];
	[tilespmem:s15+$0x1020 ss:$0x81] =	vst.msk $0xffff, v0;
	(pc) =	sbr.rel @p1 .LBB1_3-.Ltmp3, $4  }
0x36: {  	v0 =	vld [tilespmem:s18+$0x0];
	[tilespmem:s15+$0x0 ss:$0x81] =	vst.msk $0xffff, v1  }
0x37: {  	s15 =	sshra.s32 s19, $0x2;
	v1 =	vld [tilespmem:s18+$0xFFFFFFE0]  }
0x38: {  	s15 =	sadd.s32 s15, s16  }
0x39: {  	s18 =	sadd.s32 $0x40, s18;
	[tilespmem:s15+$0x1830 ss:$0x81] =	vst.msk $0xffff, v3  }
.Ltmp4:
0x3a: {  	_ = 	snop;
	(pc) =	sbr.rel .LBB1_4-.Ltmp4, $1  }
0x3b: {  	_ =	sdelay $0x3  }
.LBB1_6:
0x3c: {  	_ =	sfence.sel $0x180000  }
0x3d: {  	s2 =	simm.s32 $0x1;
	[bflag:$0x0] =	sbarrier.arrive $0xFFFF  }
0x3e: {  	s31 =	simm.s32 $0x2;
	[sflag:s2] =	ssyncpa.u1 $0x1  }
0x3f: {  	[sflag:s31] =	ssyncpa.u1 $0x1  }
0x40: {  	p0 =	sne.s32 s0, $0x0;
	_ =	strace $0x9000004A  }
0x41: {  	s0 =	sadd.s32 @!p0 $0x100000, s1;
	[bflag:$0x2] =	sbarrier.arrive $0xFFFF  }
0x42: {  	[sflag:s0] =	ssyncadd.tile.s32 @!p0 $0x1;
	_ =	shalt  }
.Lfunc_end1:
_tile_overlayer_lowered:
.L_overlay_start_2:
0x43: {  	(tag) =	ssettag $0x2  }
0x44: {  	s0 =	rddreg [dreg:$0x0];
	s2 =	stileid.u32  }
0x45: {  	s1 =	rddreg [dreg:$0x1];
	p0 =	sne.s32 s2, $0x0  }
0x46: {  	s3 =	rddreg [dreg:$0x2];
	[bflag:$0x3] =	sbarrier.arrive $0xFFFF;
	s2 =	simm.s32 @!p0 $0x1C01  }
0x47: {  	[timem:s3], [sflag:s2] =	dma.local @!p0 [hbm:s0], s1  }
0x48: {  	s0 =	simm.s32 @!p0 $0x1  }
0x49: {  	_ =	swait.ge @!p0 [sflag:s0], s1  }
0x4a: {  	s1 =	ssub.s32 @!p0 $0x0, s1;
	[sflag:s0] =	ssyncset.done @!p0 $0x0  }
0x4b: {  	[sflag:s0] =	ssyncadd.s32 @!p0 s1  }
0x4c: {  	[bflag:$0x3] =	sbarrier.arrive $0xFFFF  }
0x4d: {  	_ =	shalt  }

</sc_bundles>
